<compile_context>
chip_gen: v7x
topology: tpu7x:2x2x1
jax: 0.10.2.dev20260603
libtpu: 0.0.44.dev20260713+nightly
codegen_flags: <defaults>
</compile_context>

<pallas_src>
import functools

import jax
import jax.numpy as jnp
from jax import lax
from jax.experimental import pallas as pl
from jax.experimental.pallas import tpu as pltpu
from jax.experimental.pallas import tpu_sc as plsc

N = 100000
B = 512
D = 128
H = 64


TN = 10000
GRID = N // TN


def _mlp_body(x_ref, w1_ref, b1_ref, w2_ref, b2_ref, out_ref):
    x = x_ref[...]
    h = jnp.dot(x, w1_ref[...], preferred_element_type=jnp.float32) + b1_ref[...]
    h = h * jax.nn.sigmoid(h)
    q = jnp.dot(h, w2_ref[...], preferred_element_type=jnp.float32) + b2_ref[...]
    out_ref[...] = q


def _mlp(scaler, W1, b1, W2, b2):
    return pl.pallas_call(
        _mlp_body,
        grid=(GRID,),
        in_specs=[
            pl.BlockSpec((TN, D), lambda i: (i, 0)),
            pl.BlockSpec((D, H), lambda i: (0, 0)),
            pl.BlockSpec((1, H), lambda i: (0, 0)),
            pl.BlockSpec((H, 1), lambda i: (0, 0)),
            pl.BlockSpec((1, 1), lambda i: (0, 0)),
        ],
        out_specs=pl.BlockSpec((TN, 1), lambda i: (i, 0)),
        out_shape=jax.ShapeDtypeStruct((N, 1), jnp.float32),
        compiler_params=pltpu.CompilerParams(
            dimension_semantics=("parallel",),
        ),
    )(scaler, W1, b1.reshape(1, H), W2, b2.reshape(1, 1))



NWORK = 16
STEPS = 392
CHUNK = STEPS * 16
N_PAD = NWORK * CHUNK
BROWS = B // 16
UNROLL = 4

_sc_mesh = plsc.VectorSubcoreMesh(
    core_axis_name="c", subcore_axis_name="s", num_cores=1)


@functools.partial(
    pl.kernel,
    mesh=_sc_mesh,
    out_type=jax.ShapeDtypeStruct((B,), jnp.float32),
    scratch_types=[
        pltpu.VMEM((CHUNK,), jnp.float32),
        pltpu.VMEM((CHUNK,), jnp.float32),
        pltpu.VMEM((CHUNK,), jnp.float32),
        pltpu.VMEM((CHUNK,), jnp.float32),
        pltpu.VMEM((CHUNK,), jnp.int32),
        pltpu.VMEM((B,), jnp.float32),
        pltpu.VMEM((B,), jnp.float32),
        pltpu.VMEM((B,), jnp.float32),
        pltpu.VMEM((16, B + 1), jnp.float32),
        pltpu.VMEM((B,), jnp.float32),
        pltpu.VMEM((NWORK, B), jnp.float32),
        pltpu.VMEM_SHARED((NWORK, B), jnp.float32),
        pltpu.SemaphoreType.DMA,
    ],
    compiler_params=pltpu.CompilerParams(needs_layout_passes=False),
)
def _sc_segsum(q_hbm, px_hbm, py_hbm, pz_hbm, bi_hbm,
               mcx_hbm, mcy_hbm, mcz_hbm, out_hbm,
               qv, xv, yv, zv, biv, mcx, mcy, mcz, lacc, acc, fold, shared,
               dsem):
    wid = lax.axis_index("s")
    base = wid * CHUNK
    copies = [
        pltpu.async_copy(q_hbm.at[pl.ds(base, CHUNK)], qv, dsem),
        pltpu.async_copy(px_hbm.at[pl.ds(base, CHUNK)], xv, dsem),
        pltpu.async_copy(py_hbm.at[pl.ds(base, CHUNK)], yv, dsem),
        pltpu.async_copy(pz_hbm.at[pl.ds(base, CHUNK)], zv, dsem),
        pltpu.async_copy(bi_hbm.at[pl.ds(base, CHUNK)], biv, dsem),
        pltpu.async_copy(mcx_hbm, mcx, dsem),
        pltpu.async_copy(mcy_hbm, mcy, dsem),
        pltpu.async_copy(mcz_hbm, mcz, dsem),
    ]

    zeros16 = jnp.zeros((16,), jnp.float32)
    lanes = lax.iota(jnp.int32, 16)

    def zbody(j, carry):
        off = j * 16
        for l in range(16):
            lacc[l, pl.ds(off, 16)] = zeros16
        return carry

    lax.fori_loop(0, BROWS, zbody, 0)
    for c in copies:
        c.wait()

    def body(j, carry):
        for u in range(UNROLL):
            off = (j * UNROLL + u) * 16
            idx = biv[pl.ds(off, 16)]
            q = qv[pl.ds(off, 16)]
            x = xv[pl.ds(off, 16)]
            y = yv[pl.ds(off, 16)]
            z = zv[pl.ds(off, 16)]
            dx = x - plsc.load_gather(mcx, [idx])
            dy = y - plsc.load_gather(mcy, [idx])
            dz = z - plsc.load_gather(mcz, [idx])
            v = q * (dx * dx + dy * dy + dz * dz)
            plsc.addupdate_scatter(lacc, [lanes, idx], v)
        return carry

    lax.fori_loop(0, STEPS // UNROLL, body, 0)

    def fbody(g, carry):
        off = g * 16
        s = lacc[0, pl.ds(off, 16)]
        for l in range(1, 16):
            s = s + lacc[l, pl.ds(off, 16)]
        acc[pl.ds(off, 16)] = s
        return carry

    lax.fori_loop(0, BROWS, fbody, 0)

    pltpu.sync_copy(acc, shared.at[wid])
    plsc.subcore_barrier()

    @pl.when(wid == 0)
    def _writeout():
        pltpu.sync_copy(shared, fold)

        def gbody(g, carry):
            off = g * 16
            s = fold[0, pl.ds(off, 16)]
            for l in range(1, NWORK):
                s = s + fold[l, pl.ds(off, 16)]
            acc[pl.ds(off, 16)] = s
            return carry

        lax.fori_loop(0, BROWS, gbody, 0)
        pltpu.sync_copy(acc, out_hbm)




def kernel(pos, mass_center, scaler, vector, batch_index, W1, b1, W2, b2):
    del vector
    q = _mlp(scaler, W1, b1, W2, b2)[:, 0]

    pad = N_PAD - N
    qp = jnp.concatenate([q, jnp.zeros((pad,), jnp.float32)])
    posT = pos.T
    px = jnp.concatenate([posT[0], jnp.zeros((pad,), jnp.float32)])
    py = jnp.concatenate([posT[1], jnp.zeros((pad,), jnp.float32)])
    pz = jnp.concatenate([posT[2], jnp.zeros((pad,), jnp.float32)])
    bi = jnp.concatenate([batch_index.astype(jnp.int32),
                          jnp.zeros((pad,), jnp.int32)])
    mcT = mass_center.T

    return _sc_segsum(qp, px, py, pz, bi, mcT[0], mcT[1], mcT[2]).reshape(B, 1)

# --- scband reference (transcript-rebuilt; emitter-appended) ---
"""Pipeline reference for scband-electronic-spatial-extent-decoder-27625229648413 (READ-ONLY COPY).

The authoritative reference and input builder live on the scoring server;
editing this copy changes nothing except your own understanding.
"""

import jax, jax.numpy as jnp
import numpy as np

N = 100000
B = 512
D = 128
H = 64

def setup_inputs(seed: int = 0) -> dict:
    key = jax.random.key(seed)
    ks = jax.random.split(key, 10)
    pos = jax.random.normal(ks[0], (N, 3), dtype=jnp.float32)
    mass_center = jax.random.normal(ks[1], (B, 3), dtype=jnp.float32)
    scaler = jax.random.normal(ks[2], (N, D), dtype=jnp.float32)
    vector = jax.random.normal(ks[3], (N, 3), dtype=jnp.float32)
    batch_index = jnp.sort(jax.random.randint(ks[4], (N,), 0, B, dtype=jnp.int64))
    W1 = jax.random.normal(ks[5], (D, H), dtype=jnp.float32) * (1.0 / np.sqrt(D))
    b1 = jnp.zeros((H,), dtype=jnp.float32)
    W2 = jax.random.normal(ks[6], (H, 1), dtype=jnp.float32) * (1.0 / np.sqrt(H))
    b2 = jnp.zeros((1,), dtype=jnp.float32)
    return {"pos": pos, "mass_center": mass_center, "scaler": scaler, "vector": vector, "batch_index": batch_index, "W1": W1, "b1": b1, "W2": W2, "b2": b2}

def reference(pos, mass_center, scaler, vector, batch_index, W1, b1, W2, b2):
    # mass_center_vec = pos - mass_center[batch_index]
    mc_vec = pos - jnp.take(mass_center, batch_index, axis=0)
    # decoder_q: MLP(Linear -> act -> Linear), act = SiLU
    h = jax.nn.silu(scaler @ W1 + b1)
    q_i = h @ W2 + b2  # [N, 1]
    # r2_i = ||mc_vec||^2 keepdim
    r2_i = jnp.sum(mc_vec * mc_vec, axis=1, keepdims=True)  # [N, 1]
    # scatter sum over batch_index
    out = jax.ops.segment_sum(q_i * r2_i, batch_index, num_segments=B)
    return out

if __name__ == "__main__":
    import jax
    _d = setup_inputs()
    print(jax.jit(kernel)(*tuple(_d.values())))

</pallas_src>

<mosaic_0001>
#map = affine_map<(d0, d1) -> (0)>
module attributes {stable_mosaic.version = 14 : i64} {
  func.func @_sc_segsum(%arg0: i32, %arg1: i32, %arg2: memref<100352xf32, #tpu.memory_space<hbm>>, %arg3: memref<100352xf32, #tpu.memory_space<hbm>>, %arg4: memref<100352xf32, #tpu.memory_space<hbm>>, %arg5: memref<100352xf32, #tpu.memory_space<hbm>>, %arg6: memref<100352xi32, #tpu.memory_space<hbm>>, %arg7: memref<512xf32, #tpu.memory_space<hbm>>, %arg8: memref<512xf32, #tpu.memory_space<hbm>>, %arg9: memref<512xf32, #tpu.memory_space<hbm>>, %arg10: memref<512xf32, #tpu.memory_space<hbm>>, %arg11: memref<6272xf32, #tpu.memory_space<vmem>>, %arg12: memref<6272xf32, #tpu.memory_space<vmem>>, %arg13: memref<6272xf32, #tpu.memory_space<vmem>>, %arg14: memref<6272xf32, #tpu.memory_space<vmem>>, %arg15: memref<6272xi32, #tpu.memory_space<vmem>>, %arg16: memref<512xf32, #tpu.memory_space<vmem>>, %arg17: memref<512xf32, #tpu.memory_space<vmem>>, %arg18: memref<512xf32, #tpu.memory_space<vmem>>, %arg19: memref<16x513xf32, #tpu.memory_space<vmem>>, %arg20: memref<512xf32, #tpu.memory_space<vmem>>, %arg21: memref<16x512xf32, #tpu.memory_space<vmem>>, %arg22: memref<16x512xf32, #tpu.memory_space<vmem_shared>>, %arg23: memref<!tpu.dma_semaphore, #tpu.memory_space<semaphore_mem>>) attributes {dimension_semantics = [#tpu.dimension_semantics<core_parallel>, #tpu.dimension_semantics<subcore_parallel>], iteration_bounds = array<i64: 1, 16>, scalar_prefetch = 0 : i64, scratch_operands = 13 : i64, tpu.core_type = #tpu.core_type<sc_vector_subcore>, window_params = [{transform_indices = #map}, {transform_indices = #map}, {transform_indices = #map}, {transform_indices = #map}, {transform_indices = #map}, {transform_indices = #map}, {transform_indices = #map}, {transform_indices = #map}, {transform_indices = #map}]} {
    %mul3A = arith.constant 6272 : i32
    %mul3A_0 = arith.muli %arg1, %mul3A : i32
    %dma_start3A = tpu.memref_slice %arg2[%mul3A_0] : memref<100352xf32, #tpu.memory_space<hbm>> -> memref<6272xf32, #tpu.memory_space<hbm>>
    %dma_start3A_1 = tpu.memref_slice %arg2[%mul3A_0] : memref<100352xf32, #tpu.memory_space<hbm>> -> memref<6272xf32, #tpu.memory_space<hbm>>
    tpu.enqueue_dma source(%dma_start3A_1 : memref<6272xf32, #tpu.memory_space<hbm>>) target(%arg11 : memref<6272xf32, #tpu.memory_space<vmem>>) target_semaphore(%arg23 : memref<!tpu.dma_semaphore, #tpu.memory_space<semaphore_mem>>)
    %dma_start3A_2 = tpu.memref_slice %arg3[%mul3A_0] : memref<100352xf32, #tpu.memory_space<hbm>> -> memref<6272xf32, #tpu.memory_space<hbm>>
    %dma_start3A_3 = tpu.memref_slice %arg3[%mul3A_0] : memref<100352xf32, #tpu.memory_space<hbm>> -> memref<6272xf32, #tpu.memory_space<hbm>>
    tpu.enqueue_dma source(%dma_start3A_3 : memref<6272xf32, #tpu.memory_space<hbm>>) target(%arg12 : memref<6272xf32, #tpu.memory_space<vmem>>) target_semaphore(%arg23 : memref<!tpu.dma_semaphore, #tpu.memory_space<semaphore_mem>>)
    %dma_start3A_4 = tpu.memref_slice %arg4[%mul3A_0] : memref<100352xf32, #tpu.memory_space<hbm>> -> memref<6272xf32, #tpu.memory_space<hbm>>
    %dma_start3A_5 = tpu.memref_slice %arg4[%mul3A_0] : memref<100352xf32, #tpu.memory_space<hbm>> -> memref<6272xf32, #tpu.memory_space<hbm>>
    tpu.enqueue_dma source(%dma_start3A_5 : memref<6272xf32, #tpu.memory_space<hbm>>) target(%arg13 : memref<6272xf32, #tpu.memory_space<vmem>>) target_semaphore(%arg23 : memref<!tpu.dma_semaphore, #tpu.memory_space<semaphore_mem>>)
    %dma_start3A_6 = tpu.memref_slice %arg5[%mul3A_0] : memref<100352xf32, #tpu.memory_space<hbm>> -> memref<6272xf32, #tpu.memory_space<hbm>>
    %dma_start3A_7 = tpu.memref_slice %arg5[%mul3A_0] : memref<100352xf32, #tpu.memory_space<hbm>> -> memref<6272xf32, #tpu.memory_space<hbm>>
    tpu.enqueue_dma source(%dma_start3A_7 : memref<6272xf32, #tpu.memory_space<hbm>>) target(%arg14 : memref<6272xf32, #tpu.memory_space<vmem>>) target_semaphore(%arg23 : memref<!tpu.dma_semaphore, #tpu.memory_space<semaphore_mem>>)
    %dma_start3A_8 = tpu.memref_slice %arg6[%mul3A_0] : memref<100352xi32, #tpu.memory_space<hbm>> -> memref<6272xi32, #tpu.memory_space<hbm>>
    %dma_start3A_9 = tpu.memref_slice %arg6[%mul3A_0] : memref<100352xi32, #tpu.memory_space<hbm>> -> memref<6272xi32, #tpu.memory_space<hbm>>
    tpu.enqueue_dma source(%dma_start3A_9 : memref<6272xi32, #tpu.memory_space<hbm>>) target(%arg15 : memref<6272xi32, #tpu.memory_space<vmem>>) target_semaphore(%arg23 : memref<!tpu.dma_semaphore, #tpu.memory_space<semaphore_mem>>)
    tpu.enqueue_dma source(%arg7 : memref<512xf32, #tpu.memory_space<hbm>>) target(%arg16 : memref<512xf32, #tpu.memory_space<vmem>>) target_semaphore(%arg23 : memref<!tpu.dma_semaphore, #tpu.memory_space<semaphore_mem>>)
    tpu.enqueue_dma source(%arg8 : memref<512xf32, #tpu.memory_space<hbm>>) target(%arg17 : memref<512xf32, #tpu.memory_space<vmem>>) target_semaphore(%arg23 : memref<!tpu.dma_semaphore, #tpu.memory_space<semaphore_mem>>)
    tpu.enqueue_dma source(%arg9 : memref<512xf32, #tpu.memory_space<hbm>>) target(%arg18 : memref<512xf32, #tpu.memory_space<vmem>>) target_semaphore(%arg23 : memref<!tpu.dma_semaphore, #tpu.memory_space<semaphore_mem>>)
    %broadcast_in_dim3A = arith.constant 0.000000e+00 : f32
    %broadcast_in_dim3A_10 = vector.broadcast %broadcast_in_dim3A : f32 to vector<16xf32>
    %iota3A = tpu.iota {dimensions = array<i32: 0>} : vector<16xi32>
    %scan3A = arith.constant 0 : i32
    %scan3A_11 = arith.constant 0 : i32
    %scan3A_12 = arith.constant 32 : i32
    %scan3A_13 = arith.addi %scan3A_11, %scan3A_12 : i32
    %scan3A_14 = arith.constant 1 : i32
    scf.for %scan3A_39 = %scan3A_11 to %scan3A_13 step %scan3A_14  : i32 {
      %mul3A_40 = arith.constant 16 : i32
      %mul3A_41 = arith.muli %scan3A_39, %mul3A_40 : i32
      %swap3A = arith.constant 0 : i32
      %swap3A_42 = arith.index_cast %swap3A : i32 to index
      %swap3A_43 = arith.index_cast %mul3A_41 : i32 to index
      %swap3A_44 = tpu.vector_load %arg19[%swap3A_42, %swap3A_43] {strides = array<i32>} : memref<16x513xf32, #tpu.memory_space<vmem>>, vector<16xf32>,
      tpu.vector_store %arg19[%swap3A_42, %swap3A_43], %broadcast_in_dim3A_10 {strides = array<i32>} : memref<16x513xf32, #tpu.memory_space<vmem>>, vector<16xf32>,
      %swap3A_45 = arith.constant 1 : i32
      %swap3A_46 = arith.index_cast %swap3A_45 : i32 to index
      %swap3A_47 = arith.index_cast %mul3A_41 : i32 to index
      %swap3A_48 = tpu.vector_load %arg19[%swap3A_46, %swap3A_47] {strides = array<i32>} : memref<16x513xf32, #tpu.memory_space<vmem>>, vector<16xf32>,
      tpu.vector_store %arg19[%swap3A_46, %swap3A_47], %broadcast_in_dim3A_10 {strides = array<i32>} : memref<16x513xf32, #tpu.memory_space<vmem>>, vector<16xf32>,
      %swap3A_49 = arith.constant 2 : i32
      %swap3A_50 = arith.index_cast %swap3A_49 : i32 to index
      %swap3A_51 = arith.index_cast %mul3A_41 : i32 to index
      %swap3A_52 = tpu.vector_load %arg19[%swap3A_50, %swap3A_51] {strides = array<i32>} : memref<16x513xf32, #tpu.memory_space<vmem>>, vector<16xf32>,
      tpu.vector_store %arg19[%swap3A_50, %swap3A_51], %broadcast_in_dim3A_10 {strides = array<i32>} : memref<16x513xf32, #tpu.memory_space<vmem>>, vector<16xf32>,
      %swap3A_53 = arith.constant 3 : i32
      %swap3A_54 = arith.index_cast %swap3A_53 : i32 to index
      %swap3A_55 = arith.index_cast %mul3A_41 : i32 to index
      %swap3A_56 = tpu.vector_load %arg19[%swap3A_54, %swap3A_55] {strides = array<i32>} : memref<16x513xf32, #tpu.memory_space<vmem>>, vector<16xf32>,
      tpu.vector_store %arg19[%swap3A_54, %swap3A_55], %broadcast_in_dim3A_10 {strides = array<i32>} : memref<16x513xf32, #tpu.memory_space<vmem>>, vector<16xf32>,
      %swap3A_57 = arith.constant 4 : i32
      %swap3A_58 = arith.index_cast %swap3A_57 : i32 to index
      %swap3A_59 = arith.index_cast %mul3A_41 : i32 to index
      %swap3A_60 = tpu.vector_load %arg19[%swap3A_58, %swap3A_59] {strides = array<i32>} : memref<16x513xf32, #tpu.memory_space<vmem>>, vector<16xf32>,
      tpu.vector_store %arg19[%swap3A_58, %swap3A_59], %broadcast_in_dim3A_10 {strides = array<i32>} : memref<16x513xf32, #tpu.memory_space<vmem>>, vector<16xf32>,
      %swap3A_61 = arith.constant 5 : i32
      %swap3A_62 = arith.index_cast %swap3A_61 : i32 to index
      %swap3A_63 = arith.index_cast %mul3A_41 : i32 to index
      %swap3A_64 = tpu.vector_load %arg19[%swap3A_62, %swap3A_63] {strides = array<i32>} : memref<16x513xf32, #tpu.memory_space<vmem>>, vector<16xf32>,
      tpu.vector_store %arg19[%swap3A_62, %swap3A_63], %broadcast_in_dim3A_10 {strides = array<i32>} : memref<16x513xf32, #tpu.memory_space<vmem>>, vector<16xf32>,
      %swap3A_65 = arith.constant 6 : i32
      %swap3A_66 = arith.index_cast %swap3A_65 : i32 to index
      %swap3A_67 = arith.index_cast %mul3A_41 : i32 to index
      %swap3A_68 = tpu.vector_load %arg19[%swap3A_66, %swap3A_67] {strides = array<i32>} : memref<16x513xf32, #tpu.memory_space<vmem>>, vector<16xf32>,
      tpu.vector_store %arg19[%swap3A_66, %swap3A_67], %broadcast_in_dim3A_10 {strides = array<i32>} : memref<16x513xf32, #tpu.memory_space<vmem>>, vector<16xf32>,
      %swap3A_69 = arith.constant 7 : i32
      %swap3A_70 = arith.index_cast %swap3A_69 : i32 to index
      %swap3A_71 = arith.index_cast %mul3A_41 : i32 to index
      %swap3A_72 = tpu.vector_load %arg19[%swap3A_70, %swap3A_71] {strides = array<i32>} : memref<16x513xf32, #tpu.memory_space<vmem>>, vector<16xf32>,
      tpu.vector_store %arg19[%swap3A_70, %swap3A_71], %broadcast_in_dim3A_10 {strides = array<i32>} : memref<16x513xf32, #tpu.memory_space<vmem>>, vector<16xf32>,
      %swap3A_73 = arith.constant 8 : i32
      %swap3A_74 = arith.index_cast %swap3A_73 : i32 to index
      %swap3A_75 = arith.index_cast %mul3A_41 : i32 to index
      %swap3A_76 = tpu.vector_load %arg19[%swap3A_74, %swap3A_75] {strides = array<i32>} : memref<16x513xf32, #tpu.memory_space<vmem>>, vector<16xf32>,
      tpu.vector_store %arg19[%swap3A_74, %swap3A_75], %broadcast_in_dim3A_10 {strides = array<i32>} : memref<16x513xf32, #tpu.memory_space<vmem>>, vector<16xf32>,
      %swap3A_77 = arith.constant 9 : i32
      %swap3A_78 = arith.index_cast %swap3A_77 : i32 to index
      %swap3A_79 = arith.index_cast %mul3A_41 : i32 to index
      %swap3A_80 = tpu.vector_load %arg19[%swap3A_78, %swap3A_79] {strides = array<i32>} : memref<16x513xf32, #tpu.memory_space<vmem>>, vector<16xf32>,
      tpu.vector_store %arg19[%swap3A_78, %swap3A_79], %broadcast_in_dim3A_10 {strides = array<i32>} : memref<16x513xf32, #tpu.memory_space<vmem>>, vector<16xf32>,
      %swap3A_81 = arith.constant 10 : i32
      %swap3A_82 = arith.index_cast %swap3A_81 : i32 to index
      %swap3A_83 = arith.index_cast %mul3A_41 : i32 to index
      %swap3A_84 = tpu.vector_load %arg19[%swap3A_82, %swap3A_83] {strides = array<i32>} : memref<16x513xf32, #tpu.memory_space<vmem>>, vector<16xf32>,
      tpu.vector_store %arg19[%swap3A_82, %swap3A_83], %broadcast_in_dim3A_10 {strides = array<i32>} : memref<16x513xf32, #tpu.memory_space<vmem>>, vector<16xf32>,
      %swap3A_85 = arith.constant 11 : i32
      %swap3A_86 = arith.index_cast %swap3A_85 : i32 to index
      %swap3A_87 = arith.index_cast %mul3A_41 : i32 to index
      %swap3A_88 = tpu.vector_load %arg19[%swap3A_86, %swap3A_87] {strides = array<i32>} : memref<16x513xf32, #tpu.memory_space<vmem>>, vector<16xf32>,
      tpu.vector_store %arg19[%swap3A_86, %swap3A_87], %broadcast_in_dim3A_10 {strides = array<i32>} : memref<16x513xf32, #tpu.memory_space<vmem>>, vector<16xf32>,
      %swap3A_89 = arith.constant 12 : i32
      %swap3A_90 = arith.index_cast %swap3A_89 : i32 to index
      %swap3A_91 = arith.index_cast %mul3A_41 : i32 to index
      %swap3A_92 = tpu.vector_load %arg19[%swap3A_90, %swap3A_91] {strides = array<i32>} : memref<16x513xf32, #tpu.memory_space<vmem>>, vector<16xf32>,
      tpu.vector_store %arg19[%swap3A_90, %swap3A_91], %broadcast_in_dim3A_10 {strides = array<i32>} : memref<16x513xf32, #tpu.memory_space<vmem>>, vector<16xf32>,
      %swap3A_93 = arith.constant 13 : i32
      %swap3A_94 = arith.index_cast %swap3A_93 : i32 to index
      %swap3A_95 = arith.index_cast %mul3A_41 : i32 to index
      %swap3A_96 = tpu.vector_load %arg19[%swap3A_94, %swap3A_95] {strides = array<i32>} : memref<16x513xf32, #tpu.memory_space<vmem>>, vector<16xf32>,
      tpu.vector_store %arg19[%swap3A_94, %swap3A_95], %broadcast_in_dim3A_10 {strides = array<i32>} : memref<16x513xf32, #tpu.memory_space<vmem>>, vector<16xf32>,
      %swap3A_97 = arith.constant 14 : i32
      %swap3A_98 = arith.index_cast %swap3A_97 : i32 to index
      %swap3A_99 = arith.index_cast %mul3A_41 : i32 to index
      %swap3A_100 = tpu.vector_load %arg19[%swap3A_98, %swap3A_99] {strides = array<i32>} : memref<16x513xf32, #tpu.memory_space<vmem>>, vector<16xf32>,
      tpu.vector_store %arg19[%swap3A_98, %swap3A_99], %broadcast_in_dim3A_10 {strides = array<i32>} : memref<16x513xf32, #tpu.memory_space<vmem>>, vector<16xf32>,
      %swap3A_101 = arith.constant 15 : i32
      %swap3A_102 = arith.index_cast %swap3A_101 : i32 to index
      %swap3A_103 = arith.index_cast %mul3A_41 : i32 to index
      %swap3A_104 = tpu.vector_load %arg19[%swap3A_102, %swap3A_103] {strides = array<i32>} : memref<16x513xf32, #tpu.memory_space<vmem>>, vector<16xf32>,
      tpu.vector_store %arg19[%swap3A_102, %swap3A_103], %broadcast_in_dim3A_10 {strides = array<i32>} : memref<16x513xf32, #tpu.memory_space<vmem>>, vector<16xf32>,
    }
    %scan3A_15 = arith.constant 32 : i32
    %dma_wait3A = tpu.memref_slice %arg2[%mul3A_0] : memref<100352xf32, #tpu.memory_space<hbm>> -> memref<6272xf32, #tpu.memory_space<hbm>>
    %dma_wait3A_16 = tpu.memref_slice %arg2[%mul3A_0] : memref<100352xf32, #tpu.memory_space<hbm>> -> memref<6272xf32, #tpu.memory_space<hbm>>
    tpu.wait_dma2 semaphore(%arg23 : memref<!tpu.dma_semaphore, #tpu.memory_space<semaphore_mem>>) src(%dma_wait3A_16 : memref<6272xf32, #tpu.memory_space<hbm>>) dst(%arg11 : memref<6272xf32, #tpu.memory_space<vmem>>)
    %dma_wait3A_17 = tpu.memref_slice %arg3[%mul3A_0] : memref<100352xf32, #tpu.memory_space<hbm>> -> memref<6272xf32, #tpu.memory_space<hbm>>
    %dma_wait3A_18 = tpu.memref_slice %arg3[%mul3A_0] : memref<100352xf32, #tpu.memory_space<hbm>> -> memref<6272xf32, #tpu.memory_space<hbm>>
    tpu.wait_dma2 semaphore(%arg23 : memref<!tpu.dma_semaphore, #tpu.memory_space<semaphore_mem>>) src(%dma_wait3A_18 : memref<6272xf32, #tpu.memory_space<hbm>>) dst(%arg12 : memref<6272xf32, #tpu.memory_space<vmem>>)
    %dma_wait3A_19 = tpu.memref_slice %arg4[%mul3A_0] : memref<100352xf32, #tpu.memory_space<hbm>> -> memref<6272xf32, #tpu.memory_space<hbm>>
    %dma_wait3A_20 = tpu.memref_slice %arg4[%mul3A_0] : memref<100352xf32, #tpu.memory_space<hbm>> -> memref<6272xf32, #tpu.memory_space<hbm>>
    tpu.wait_dma2 semaphore(%arg23 : memref<!tpu.dma_semaphore, #tpu.memory_space<semaphore_mem>>) src(%dma_wait3A_20 : memref<6272xf32, #tpu.memory_space<hbm>>) dst(%arg13 : memref<6272xf32, #tpu.memory_space<vmem>>)
    %dma_wait3A_21 = tpu.memref_slice %arg5[%mul3A_0] : memref<100352xf32, #tpu.memory_space<hbm>> -> memref<6272xf32, #tpu.memory_space<hbm>>
    %dma_wait3A_22 = tpu.memref_slice %arg5[%mul3A_0] : memref<100352xf32, #tpu.memory_space<hbm>> -> memref<6272xf32, #tpu.memory_space<hbm>>
    tpu.wait_dma2 semaphore(%arg23 : memref<!tpu.dma_semaphore, #tpu.memory_space<semaphore_mem>>) src(%dma_wait3A_22 : memref<6272xf32, #tpu.memory_space<hbm>>) dst(%arg14 : memref<6272xf32, #tpu.memory_space<vmem>>)
    %dma_wait3A_23 = tpu.memref_slice %arg6[%mul3A_0] : memref<100352xi32, #tpu.memory_space<hbm>> -> memref<6272xi32, #tpu.memory_space<hbm>>
    %dma_wait3A_24 = tpu.memref_slice %arg6[%mul3A_0] : memref<100352xi32, #tpu.memory_space<hbm>> -> memref<6272xi32, #tpu.memory_space<hbm>>
    tpu.wait_dma2 semaphore(%arg23 : memref<!tpu.dma_semaphore, #tpu.memory_space<semaphore_mem>>) src(%dma_wait3A_24 : memref<6272xi32, #tpu.memory_space<hbm>>) dst(%arg15 : memref<6272xi32, #tpu.memory_space<vmem>>)
    tpu.wait_dma2 semaphore(%arg23 : memref<!tpu.dma_semaphore, #tpu.memory_space<semaphore_mem>>) src(%arg7 : memref<512xf32, #tpu.memory_space<hbm>>) dst(%arg16 : memref<512xf32, #tpu.memory_space<vmem>>)
    tpu.wait_dma2 semaphore(%arg23 : memref<!tpu.dma_semaphore, #tpu.memory_space<semaphore_mem>>) src(%arg8 : memref<512xf32, #tpu.memory_space<hbm>>) dst(%arg17 : memref<512xf32, #tpu.memory_space<vmem>>)
    tpu.wait_dma2 semaphore(%arg23 : memref<!tpu.dma_semaphore, #tpu.memory_space<semaphore_mem>>) src(%arg9 : memref<512xf32, #tpu.memory_space<hbm>>) dst(%arg18 : memref<512xf32, #tpu.memory_space<vmem>>)
    %scan3A_25 = arith.constant 0 : i32
    %scan3A_26 = arith.constant 0 : i32
    %scan3A_27 = arith.constant 98 : i32
    %scan3A_28 = arith.addi %scan3A_26, %scan3A_27 : i32
    %scan3A_29 = arith.constant 1 : i32
    scf.for %scan3A_39 = %scan3A_26 to %scan3A_28 step %scan3A_29  : i32 {
      %mul3A_40 = arith.constant 4 : i32
      %mul3A_41 = arith.muli %scan3A_39, %mul3A_40 : i32
      %add3A = arith.constant 0 : i32
      %add3A_42 = arith.addi %mul3A_41, %add3A : i32
      %mul3A_43 = arith.constant 16 : i32
      %mul3A_44 = arith.muli %add3A_42, %mul3A_43 : i32
      %get3A = arith.index_cast %mul3A_44 : i32 to index
      %get3A_45 = tpu.vector_load %arg15[%get3A] {strides = array<i32>} : memref<6272xi32, #tpu.memory_space<vmem>>, vector<16xi32>,
      %get3A_46 = arith.index_cast %mul3A_44 : i32 to index
      %get3A_47 = tpu.vector_load %arg11[%get3A_46] {strides = array<i32>} : memref<6272xf32, #tpu.memory_space<vmem>>, vector<16xf32>,
      %get3A_48 = arith.index_cast %mul3A_44 : i32 to index
      %get3A_49 = tpu.vector_load %arg12[%get3A_48] {strides = array<i32>} : memref<6272xf32, #tpu.memory_space<vmem>>, vector<16xf32>,
      %get3A_50 = arith.index_cast %mul3A_44 : i32 to index
      %get3A_51 = tpu.vector_load %arg13[%get3A_50] {strides = array<i32>} : memref<6272xf32, #tpu.memory_space<vmem>>, vector<16xf32>,
      %get3A_52 = arith.index_cast %mul3A_44 : i32 to index
      %get3A_53 = tpu.vector_load %arg14[%get3A_52] {strides = array<i32>} : memref<6272xf32, #tpu.memory_space<vmem>>, vector<16xf32>,
      %gather3A = tpu.vector_load_idx %arg16[%get3A_45] : memref<512xf32, #tpu.memory_space<vmem>>[vector<16xi32>], vector<16xf32>,
      %sub3A = arith.subf %get3A_49, %gather3A : vector<16xf32>
      %gather3A_54 = tpu.vector_load_idx %arg17[%get3A_45] : memref<512xf32, #tpu.memory_space<vmem>>[vector<16xi32>], vector<16xf32>,
      %sub3A_55 = arith.subf %get3A_51, %gather3A_54 : vector<16xf32>
      %gather3A_56 = tpu.vector_load_idx %arg18[%get3A_45] : memref<512xf32, #tpu.memory_space<vmem>>[vector<16xi32>], vector<16xf32>,
      %sub3A_57 = arith.subf %get3A_53, %gather3A_56 : vector<16xf32>
      %mul3A_58 = arith.mulf %sub3A, %sub3A : vector<16xf32>
      %mul3A_59 = arith.mulf %sub3A_55, %sub3A_55 : vector<16xf32>
      %add3A_60 = arith.addf %mul3A_58, %mul3A_59 : vector<16xf32>
      %mul3A_61 = arith.mulf %sub3A_57, %sub3A_57 : vector<16xf32>
      %add3A_62 = arith.addf %add3A_60, %mul3A_61 : vector<16xf32>
      %mul3A_63 = arith.mulf %get3A_47, %add3A_62 : vector<16xf32>
      tpu.vector_store_idx %arg19[%iota3A, %get3A_45], %mul3A_63 {add = true} : memref<16x513xf32, #tpu.memory_space<vmem>>[vector<16xi32>, vector<16xi32>], vector<16xf32>,
      %mul3A_64 = arith.constant 4 : i32
      %mul3A_65 = arith.muli %scan3A_39, %mul3A_64 : i32
      %add3A_66 = arith.constant 1 : i32
      %add3A_67 = arith.addi %mul3A_65, %add3A_66 : i32
      %mul3A_68 = arith.constant 16 : i32
      %mul3A_69 = arith.muli %add3A_67, %mul3A_68 : i32
      %get3A_70 = arith.index_cast %mul3A_69 : i32 to index
      %get3A_71 = tpu.vector_load %arg15[%get3A_70] {strides = array<i32>} : memref<6272xi32, #tpu.memory_space<vmem>>, vector<16xi32>,
      %get3A_72 = arith.index_cast %mul3A_69 : i32 to index
      %get3A_73 = tpu.vector_load %arg11[%get3A_72] {strides = array<i32>} : memref<6272xf32, #tpu.memory_space<vmem>>, vector<16xf32>,
      %get3A_74 = arith.index_cast %mul3A_69 : i32 to index
      %get3A_75 = tpu.vector_load %arg12[%get3A_74] {strides = array<i32>} : memref<6272xf32, #tpu.memory_space<vmem>>, vector<16xf32>,
      %get3A_76 = arith.index_cast %mul3A_69 : i32 to index
      %get3A_77 = tpu.vector_load %arg13[%get3A_76] {strides = array<i32>} : memref<6272xf32, #tpu.memory_space<vmem>>, vector<16xf32>,
      %get3A_78 = arith.index_cast %mul3A_69 : i32 to index
      %get3A_79 = tpu.vector_load %arg14[%get3A_78] {strides = array<i32>} : memref<6272xf32, #tpu.memory_space<vmem>>, vector<16xf32>,
      %gather3A_80 = tpu.vector_load_idx %arg16[%get3A_71] : memref<512xf32, #tpu.memory_space<vmem>>[vector<16xi32>], vector<16xf32>,
      %sub3A_81 = arith.subf %get3A_75, %gather3A_80 : vector<16xf32>
      %gather3A_82 = tpu.vector_load_idx %arg17[%get3A_71] : memref<512xf32, #tpu.memory_space<vmem>>[vector<16xi32>], vector<16xf32>,
      %sub3A_83 = arith.subf %get3A_77, %gather3A_82 : vector<16xf32>
      %gather3A_84 = tpu.vector_load_idx %arg18[%get3A_71] : memref<512xf32, #tpu.memory_space<vmem>>[vector<16xi32>], vector<16xf32>,
      %sub3A_85 = arith.subf %get3A_79, %gather3A_84 : vector<16xf32>
      %mul3A_86 = arith.mulf %sub3A_81, %sub3A_81 : vector<16xf32>
      %mul3A_87 = arith.mulf %sub3A_83, %sub3A_83 : vector<16xf32>
      %add3A_88 = arith.addf %mul3A_86, %mul3A_87 : vector<16xf32>
      %mul3A_89 = arith.mulf %sub3A_85, %sub3A_85 : vector<16xf32>
      %add3A_90 = arith.addf %add3A_88, %mul3A_89 : vector<16xf32>
      %mul3A_91 = arith.mulf %get3A_73, %add3A_90 : vector<16xf32>
      tpu.vector_store_idx %arg19[%iota3A, %get3A_71], %mul3A_91 {add = true} : memref<16x513xf32, #tpu.memory_space<vmem>>[vector<16xi32>, vector<16xi32>], vector<16xf32>,
      %mul3A_92 = arith.constant 4 : i32
      %mul3A_93 = arith.muli %scan3A_39, %mul3A_92 : i32
      %add3A_94 = arith.constant 2 : i32
      %add3A_95 = arith.addi %mul3A_93, %add3A_94 : i32
      %mul3A_96 = arith.constant 16 : i32
      %mul3A_97 = arith.muli %add3A_95, %mul3A_96 : i32
      %get3A_98 = arith.index_cast %mul3A_97 : i32 to index
      %get3A_99 = tpu.vector_load %arg15[%get3A_98] {strides = array<i32>} : memref<6272xi32, #tpu.memory_space<vmem>>, vector<16xi32>,
      %get3A_100 = arith.index_cast %mul3A_97 : i32 to index
      %get3A_101 = tpu.vector_load %arg11[%get3A_100] {strides = array<i32>} : memref<6272xf32, #tpu.memory_space<vmem>>, vector<16xf32>,
      %get3A_102 = arith.index_cast %mul3A_97 : i32 to index
      %get3A_103 = tpu.vector_load %arg12[%get3A_102] {strides = array<i32>} : memref<6272xf32, #tpu.memory_space<vmem>>, vector<16xf32>,
      %get3A_104 = arith.index_cast %mul3A_97 : i32 to index
      %get3A_105 = tpu.vector_load %arg13[%get3A_104] {strides = array<i32>} : memref<6272xf32, #tpu.memory_space<vmem>>, vector<16xf32>,
      %get3A_106 = arith.index_cast %mul3A_97 : i32 to index
      %get3A_107 = tpu.vector_load %arg14[%get3A_106] {strides = array<i32>} : memref<6272xf32, #tpu.memory_space<vmem>>, vector<16xf32>,
      %gather3A_108 = tpu.vector_load_idx %arg16[%get3A_99] : memref<512xf32, #tpu.memory_space<vmem>>[vector<16xi32>], vector<16xf32>,
      %sub3A_109 = arith.subf %get3A_103, %gather3A_108 : vector<16xf32>
      %gather3A_110 = tpu.vector_load_idx %arg17[%get3A_99] : memref<512xf32, #tpu.memory_space<vmem>>[vector<16xi32>], vector<16xf32>,
      %sub3A_111 = arith.subf %get3A_105, %gather3A_110 : vector<16xf32>
      %gather3A_112 = tpu.vector_load_idx %arg18[%get3A_99] : memref<512xf32, #tpu.memory_space<vmem>>[vector<16xi32>], vector<16xf32>,
      %sub3A_113 = arith.subf %get3A_107, %gather3A_112 : vector<16xf32>
      %mul3A_114 = arith.mulf %sub3A_109, %sub3A_109 : vector<16xf32>
      %mul3A_115 = arith.mulf %sub3A_111, %sub3A_111 : vector<16xf32>
      %add3A_116 = arith.addf %mul3A_114, %mul3A_115 : vector<16xf32>
      %mul3A_117 = arith.mulf %sub3A_113, %sub3A_113 : vector<16xf32>
      %add3A_118 = arith.addf %add3A_116, %mul3A_117 : vector<16xf32>
      %mul3A_119 = arith.mulf %get3A_101, %add3A_118 : vector<16xf32>
      tpu.vector_store_idx %arg19[%iota3A, %get3A_99], %mul3A_119 {add = true} : memref<16x513xf32, #tpu.memory_space<vmem>>[vector<16xi32>, vector<16xi32>], vector<16xf32>,
      %mul3A_120 = arith.constant 4 : i32
      %mul3A_121 = arith.muli %scan3A_39, %mul3A_120 : i32
      %add3A_122 = arith.constant 3 : i32
      %add3A_123 = arith.addi %mul3A_121, %add3A_122 : i32
      %mul3A_124 = arith.constant 16 : i32
      %mul3A_125 = arith.muli %add3A_123, %mul3A_124 : i32
      %get3A_126 = arith.index_cast %mul3A_125 : i32 to index
      %get3A_127 = tpu.vector_load %arg15[%get3A_126] {strides = array<i32>} : memref<6272xi32, #tpu.memory_space<vmem>>, vector<16xi32>,
      %get3A_128 = arith.index_cast %mul3A_125 : i32 to index
      %get3A_129 = tpu.vector_load %arg11[%get3A_128] {strides = array<i32>} : memref<6272xf32, #tpu.memory_space<vmem>>, vector<16xf32>,
      %get3A_130 = arith.index_cast %mul3A_125 : i32 to index
      %get3A_131 = tpu.vector_load %arg12[%get3A_130] {strides = array<i32>} : memref<6272xf32, #tpu.memory_space<vmem>>, vector<16xf32>,
      %get3A_132 = arith.index_cast %mul3A_125 : i32 to index
      %get3A_133 = tpu.vector_load %arg13[%get3A_132] {strides = array<i32>} : memref<6272xf32, #tpu.memory_space<vmem>>, vector<16xf32>,
      %get3A_134 = arith.index_cast %mul3A_125 : i32 to index
      %get3A_135 = tpu.vector_load %arg14[%get3A_134] {strides = array<i32>} : memref<6272xf32, #tpu.memory_space<vmem>>, vector<16xf32>,
      %gather3A_136 = tpu.vector_load_idx %arg16[%get3A_127] : memref<512xf32, #tpu.memory_space<vmem>>[vector<16xi32>], vector<16xf32>,
      %sub3A_137 = arith.subf %get3A_131, %gather3A_136 : vector<16xf32>
      %gather3A_138 = tpu.vector_load_idx %arg17[%get3A_127] : memref<512xf32, #tpu.memory_space<vmem>>[vector<16xi32>], vector<16xf32>,
      %sub3A_139 = arith.subf %get3A_133, %gather3A_138 : vector<16xf32>
      %gather3A_140 = tpu.vector_load_idx %arg18[%get3A_127] : memref<512xf32, #tpu.memory_space<vmem>>[vector<16xi32>], vector<16xf32>,
      %sub3A_141 = arith.subf %get3A_135, %gather3A_140 : vector<16xf32>
      %mul3A_142 = arith.mulf %sub3A_137, %sub3A_137 : vector<16xf32>
      %mul3A_143 = arith.mulf %sub3A_139, %sub3A_139 : vector<16xf32>
      %add3A_144 = arith.addf %mul3A_142, %mul3A_143 : vector<16xf32>
      %mul3A_145 = arith.mulf %sub3A_141, %sub3A_141 : vector<16xf32>
      %add3A_146 = arith.addf %add3A_144, %mul3A_145 : vector<16xf32>
      %mul3A_147 = arith.mulf %get3A_129, %add3A_146 : vector<16xf32>
      tpu.vector_store_idx %arg19[%iota3A, %get3A_127], %mul3A_147 {add = true} : memref<16x513xf32, #tpu.memory_space<vmem>>[vector<16xi32>, vector<16xi32>], vector<16xf32>,
    }
    %scan3A_30 = arith.constant 98 : i32
    %scan3A_31 = arith.constant 0 : i32
    %scan3A_32 = arith.constant 0 : i32
    %scan3A_33 = arith.constant 32 : i32
    %scan3A_34 = arith.addi %scan3A_32, %scan3A_33 : i32
    %scan3A_35 = arith.constant 1 : i32
    scf.for %scan3A_39 = %scan3A_32 to %scan3A_34 step %scan3A_35  : i32 {
      %mul3A_40 = arith.constant 16 : i32
      %mul3A_41 = arith.muli %scan3A_39, %mul3A_40 : i32
      %get3A = arith.constant 0 : i32
      %get3A_42 = arith.index_cast %get3A : i32 to index
      %get3A_43 = arith.index_cast %mul3A_41 : i32 to index
      %get3A_44 = tpu.vector_load %arg19[%get3A_42, %get3A_43] {strides = array<i32>} : memref<16x513xf32, #tpu.memory_space<vmem>>, vector<16xf32>,
      %get3A_45 = arith.constant 1 : i32
      %get3A_46 = arith.index_cast %get3A_45 : i32 to index
      %get3A_47 = arith.index_cast %mul3A_41 : i32 to index
      %get3A_48 = tpu.vector_load %arg19[%get3A_46, %get3A_47] {strides = array<i32>} : memref<16x513xf32, #tpu.memory_space<vmem>>, vector<16xf32>,
      %add3A = arith.addf %get3A_44, %get3A_48 : vector<16xf32>
      %get3A_49 = arith.constant 2 : i32
      %get3A_50 = arith.index_cast %get3A_49 : i32 to index
      %get3A_51 = arith.index_cast %mul3A_41 : i32 to index
      %get3A_52 = tpu.vector_load %arg19[%get3A_50, %get3A_51] {strides = array<i32>} : memref<16x513xf32, #tpu.memory_space<vmem>>, vector<16xf32>,
      %add3A_53 = arith.addf %add3A, %get3A_52 : vector<16xf32>
      %get3A_54 = arith.constant 3 : i32
      %get3A_55 = arith.index_cast %get3A_54 : i32 to index
      %get3A_56 = arith.index_cast %mul3A_41 : i32 to index
      %get3A_57 = tpu.vector_load %arg19[%get3A_55, %get3A_56] {strides = array<i32>} : memref<16x513xf32, #tpu.memory_space<vmem>>, vector<16xf32>,
      %add3A_58 = arith.addf %add3A_53, %get3A_57 : vector<16xf32>
      %get3A_59 = arith.constant 4 : i32
      %get3A_60 = arith.index_cast %get3A_59 : i32 to index
      %get3A_61 = arith.index_cast %mul3A_41 : i32 to index
      %get3A_62 = tpu.vector_load %arg19[%get3A_60, %get3A_61] {strides = array<i32>} : memref<16x513xf32, #tpu.memory_space<vmem>>, vector<16xf32>,
      %add3A_63 = arith.addf %add3A_58, %get3A_62 : vector<16xf32>
      %get3A_64 = arith.constant 5 : i32
      %get3A_65 = arith.index_cast %get3A_64 : i32 to index
      %get3A_66 = arith.index_cast %mul3A_41 : i32 to index
      %get3A_67 = tpu.vector_load %arg19[%get3A_65, %get3A_66] {strides = array<i32>} : memref<16x513xf32, #tpu.memory_space<vmem>>, vector<16xf32>,
      %add3A_68 = arith.addf %add3A_63, %get3A_67 : vector<16xf32>
      %get3A_69 = arith.constant 6 : i32
      %get3A_70 = arith.index_cast %get3A_69 : i32 to index
      %get3A_71 = arith.index_cast %mul3A_41 : i32 to index
      %get3A_72 = tpu.vector_load %arg19[%get3A_70, %get3A_71] {strides = array<i32>} : memref<16x513xf32, #tpu.memory_space<vmem>>, vector<16xf32>,
      %add3A_73 = arith.addf %add3A_68, %get3A_72 : vector<16xf32>
      %get3A_74 = arith.constant 7 : i32
      %get3A_75 = arith.index_cast %get3A_74 : i32 to index
      %get3A_76 = arith.index_cast %mul3A_41 : i32 to index
      %get3A_77 = tpu.vector_load %arg19[%get3A_75, %get3A_76] {strides = array<i32>} : memref<16x513xf32, #tpu.memory_space<vmem>>, vector<16xf32>,
      %add3A_78 = arith.addf %add3A_73, %get3A_77 : vector<16xf32>
      %get3A_79 = arith.constant 8 : i32
      %get3A_80 = arith.index_cast %get3A_79 : i32 to index
      %get3A_81 = arith.index_cast %mul3A_41 : i32 to index
      %get3A_82 = tpu.vector_load %arg19[%get3A_80, %get3A_81] {strides = array<i32>} : memref<16x513xf32, #tpu.memory_space<vmem>>, vector<16xf32>,
      %add3A_83 = arith.addf %add3A_78, %get3A_82 : vector<16xf32>
      %get3A_84 = arith.constant 9 : i32
      %get3A_85 = arith.index_cast %get3A_84 : i32 to index
      %get3A_86 = arith.index_cast %mul3A_41 : i32 to index
      %get3A_87 = tpu.vector_load %arg19[%get3A_85, %get3A_86] {strides = array<i32>} : memref<16x513xf32, #tpu.memory_space<vmem>>, vector<16xf32>,
      %add3A_88 = arith.addf %add3A_83, %get3A_87 : vector<16xf32>
      %get3A_89 = arith.constant 10 : i32
      %get3A_90 = arith.index_cast %get3A_89 : i32 to index
      %get3A_91 = arith.index_cast %mul3A_41 : i32 to index
      %get3A_92 = tpu.vector_load %arg19[%get3A_90, %get3A_91] {strides = array<i32>} : memref<16x513xf32, #tpu.memory_space<vmem>>, vector<16xf32>,
      %add3A_93 = arith.addf %add3A_88, %get3A_92 : vector<16xf32>
      %get3A_94 = arith.constant 11 : i32
      %get3A_95 = arith.index_cast %get3A_94 : i32 to index
      %get3A_96 = arith.index_cast %mul3A_41 : i32 to index
      %get3A_97 = tpu.vector_load %arg19[%get3A_95, %get3A_96] {strides = array<i32>} : memref<16x513xf32, #tpu.memory_space<vmem>>, vector<16xf32>,
      %add3A_98 = arith.addf %add3A_93, %get3A_97 : vector<16xf32>
      %get3A_99 = arith.constant 12 : i32
      %get3A_100 = arith.index_cast %get3A_99 : i32 to index
      %get3A_101 = arith.index_cast %mul3A_41 : i32 to index
      %get3A_102 = tpu.vector_load %arg19[%get3A_100, %get3A_101] {strides = array<i32>} : memref<16x513xf32, #tpu.memory_space<vmem>>, vector<16xf32>,
      %add3A_103 = arith.addf %add3A_98, %get3A_102 : vector<16xf32>
      %get3A_104 = arith.constant 13 : i32
      %get3A_105 = arith.index_cast %get3A_104 : i32 to index
      %get3A_106 = arith.index_cast %mul3A_41 : i32 to index
      %get3A_107 = tpu.vector_load %arg19[%get3A_105, %get3A_106] {strides = array<i32>} : memref<16x513xf32, #tpu.memory_space<vmem>>, vector<16xf32>,
      %add3A_108 = arith.addf %add3A_103, %get3A_107 : vector<16xf32>
      %get3A_109 = arith.constant 14 : i32
      %get3A_110 = arith.index_cast %get3A_109 : i32 to index
      %get3A_111 = arith.index_cast %mul3A_41 : i32 to index
      %get3A_112 = tpu.vector_load %arg19[%get3A_110, %get3A_111] {strides = array<i32>} : memref<16x513xf32, #tpu.memory_space<vmem>>, vector<16xf32>,
      %add3A_113 = arith.addf %add3A_108, %get3A_112 : vector<16xf32>
      %get3A_114 = arith.constant 15 : i32
      %get3A_115 = arith.index_cast %get3A_114 : i32 to index
      %get3A_116 = arith.index_cast %mul3A_41 : i32 to index
      %get3A_117 = tpu.vector_load %arg19[%get3A_115, %get3A_116] {strides = array<i32>} : memref<16x513xf32, #tpu.memory_space<vmem>>, vector<16xf32>,
      %add3A_118 = arith.addf %add3A_113, %get3A_117 : vector<16xf32>
      %swap3A = arith.index_cast %mul3A_41 : i32 to index
      %swap3A_119 = tpu.vector_load %arg20[%swap3A] {strides = array<i32>} : memref<512xf32, #tpu.memory_space<vmem>>, vector<16xf32>,
      tpu.vector_store %arg20[%swap3A], %add3A_118 {strides = array<i32>} : memref<512xf32, #tpu.memory_space<vmem>>, vector<16xf32>,
    }
    %scan3A_36 = arith.constant 32 : i32
    "tpu.region"() ({
      %run_scoped3A = tpu.sem_alloc : memref<!tpu.dma_semaphore, #tpu.memory_space<semaphore_mem>>
      %dma_start3A_39 = arith.constant 0 : i32
      %dma_start3A_40 = tpu.memref_slice %arg22[%arg1, %dma_start3A_39] : memref<16x512xf32, #tpu.memory_space<vmem_shared>> -> memref<1x512xf32, #tpu.memory_space<vmem_shared>>
      %dma_start3A_41 = tpu.memref_squeeze %dma_start3A_40 : memref<1x512xf32, #tpu.memory_space<vmem_shared>> -> memref<512xf32, #tpu.memory_space<vmem_shared>>
      %dma_start3A_42 = arith.constant 0 : i32
      %dma_start3A_43 = tpu.memref_slice %arg22[%arg1, %dma_start3A_42] : memref<16x512xf32, #tpu.memory_space<vmem_shared>> -> memref<1x512xf32, #tpu.memory_space<vmem_shared>>
      %dma_start3A_44 = tpu.memref_squeeze %dma_start3A_43 : memref<1x512xf32, #tpu.memory_space<vmem_shared>> -> memref<512xf32, #tpu.memory_space<vmem_shared>>
      tpu.enqueue_dma source(%arg20 : memref<512xf32, #tpu.memory_space<vmem>>) target(%dma_start3A_44 : memref<512xf32, #tpu.memory_space<vmem_shared>>) target_semaphore(%run_scoped3A : memref<!tpu.dma_semaphore, #tpu.memory_space<semaphore_mem>>)
      %dma_wait3A_45 = arith.constant 0 : i32
      %dma_wait3A_46 = tpu.memref_slice %arg22[%arg1, %dma_wait3A_45] : memref<16x512xf32, #tpu.memory_space<vmem_shared>> -> memref<1x512xf32, #tpu.memory_space<vmem_shared>>
      %dma_wait3A_47 = tpu.memref_squeeze %dma_wait3A_46 : memref<1x512xf32, #tpu.memory_space<vmem_shared>> -> memref<512xf32, #tpu.memory_space<vmem_shared>>
      %dma_wait3A_48 = arith.constant 0 : i32
      %dma_wait3A_49 = tpu.memref_slice %arg22[%arg1, %dma_wait3A_48] : memref<16x512xf32, #tpu.memory_space<vmem_shared>> -> memref<1x512xf32, #tpu.memory_space<vmem_shared>>
      %dma_wait3A_50 = tpu.memref_squeeze %dma_wait3A_49 : memref<1x512xf32, #tpu.memory_space<vmem_shared>> -> memref<512xf32, #tpu.memory_space<vmem_shared>>
      tpu.wait_dma2 semaphore(%run_scoped3A : memref<!tpu.dma_semaphore, #tpu.memory_space<semaphore_mem>>) src(%arg20 : memref<512xf32, #tpu.memory_space<vmem>>) dst(%dma_wait3A_50 : memref<512xf32, #tpu.memory_space<vmem_shared>>)
      tpu.yield
    }) : () -> ()
    %barrier3A = arith.constant 0 : index
    tpu.barrier barrier_id(%barrier3A)
    %eq3A = arith.constant 0 : i32
    %eq3A_37 = arith.cmpi eq, %arg1, %eq3A : i32
    %convert_element_type3A = arith.extui %eq3A_37 : i1 to i32
    %cond3A = arith.constant 0 : i32
    %cond3A_38 = arith.cmpi ne, %convert_element_type3A, %cond3A : i32
    scf.if %cond3A_38 {
      "tpu.region"() ({
        %run_scoped3A = tpu.sem_alloc : memref<!tpu.dma_semaphore, #tpu.memory_space<semaphore_mem>>
        tpu.enqueue_dma source(%arg22 : memref<16x512xf32, #tpu.memory_space<vmem_shared>>) target(%arg21 : memref<16x512xf32, #tpu.memory_space<vmem>>) target_semaphore(%run_scoped3A : memref<!tpu.dma_semaphore, #tpu.memory_space<semaphore_mem>>)
        tpu.wait_dma2 semaphore(%run_scoped3A : memref<!tpu.dma_semaphore, #tpu.memory_space<semaphore_mem>>) src(%arg22 : memref<16x512xf32, #tpu.memory_space<vmem_shared>>) dst(%arg21 : memref<16x512xf32, #tpu.memory_space<vmem>>)
        tpu.yield
      }) : () -> ()
      %scan3A_39 = arith.constant 0 : i32
      %scan3A_40 = arith.constant 0 : i32
      %scan3A_41 = arith.constant 32 : i32
      %scan3A_42 = arith.addi %scan3A_40, %scan3A_41 : i32
      %scan3A_43 = arith.constant 1 : i32
      scf.for %scan3A_45 = %scan3A_40 to %scan3A_42 step %scan3A_43  : i32 {
        %mul3A_46 = arith.constant 16 : i32
        %mul3A_47 = arith.muli %scan3A_45, %mul3A_46 : i32
        %get3A = arith.constant 0 : i32
        %get3A_48 = arith.index_cast %get3A : i32 to index
        %get3A_49 = arith.index_cast %mul3A_47 : i32 to index
        %get3A_50 = tpu.vector_load %arg21[%get3A_48, %get3A_49] {strides = array<i32>} : memref<16x512xf32, #tpu.memory_space<vmem>>, vector<16xf32>,
        %get3A_51 = arith.constant 1 : i32
        %get3A_52 = arith.index_cast %get3A_51 : i32 to index
        %get3A_53 = arith.index_cast %mul3A_47 : i32 to index
        %get3A_54 = tpu.vector_load %arg21[%get3A_52, %get3A_53] {strides = array<i32>} : memref<16x512xf32, #tpu.memory_space<vmem>>, vector<16xf32>,
        %add3A = arith.addf %get3A_50, %get3A_54 : vector<16xf32>
        %get3A_55 = arith.constant 2 : i32
        %get3A_56 = arith.index_cast %get3A_55 : i32 to index
        %get3A_57 = arith.index_cast %mul3A_47 : i32 to index
        %get3A_58 = tpu.vector_load %arg21[%get3A_56, %get3A_57] {strides = array<i32>} : memref<16x512xf32, #tpu.memory_space<vmem>>, vector<16xf32>,
        %add3A_59 = arith.addf %add3A, %get3A_58 : vector<16xf32>
        %get3A_60 = arith.constant 3 : i32
        %get3A_61 = arith.index_cast %get3A_60 : i32 to index
        %get3A_62 = arith.index_cast %mul3A_47 : i32 to index
        %get3A_63 = tpu.vector_load %arg21[%get3A_61, %get3A_62] {strides = array<i32>} : memref<16x512xf32, #tpu.memory_space<vmem>>, vector<16xf32>,
        %add3A_64 = arith.addf %add3A_59, %get3A_63 : vector<16xf32>
        %get3A_65 = arith.constant 4 : i32
        %get3A_66 = arith.index_cast %get3A_65 : i32 to index
        %get3A_67 = arith.index_cast %mul3A_47 : i32 to index
        %get3A_68 = tpu.vector_load %arg21[%get3A_66, %get3A_67] {strides = array<i32>} : memref<16x512xf32, #tpu.memory_space<vmem>>, vector<16xf32>,
        %add3A_69 = arith.addf %add3A_64, %get3A_68 : vector<16xf32>
        %get3A_70 = arith.constant 5 : i32
        %get3A_71 = arith.index_cast %get3A_70 : i32 to index
        %get3A_72 = arith.index_cast %mul3A_47 : i32 to index
        %get3A_73 = tpu.vector_load %arg21[%get3A_71, %get3A_72] {strides = array<i32>} : memref<16x512xf32, #tpu.memory_space<vmem>>, vector<16xf32>,
        %add3A_74 = arith.addf %add3A_69, %get3A_73 : vector<16xf32>
        %get3A_75 = arith.constant 6 : i32
        %get3A_76 = arith.index_cast %get3A_75 : i32 to index
        %get3A_77 = arith.index_cast %mul3A_47 : i32 to index
        %get3A_78 = tpu.vector_load %arg21[%get3A_76, %get3A_77] {strides = array<i32>} : memref<16x512xf32, #tpu.memory_space<vmem>>, vector<16xf32>,
        %add3A_79 = arith.addf %add3A_74, %get3A_78 : vector<16xf32>
        %get3A_80 = arith.constant 7 : i32
        %get3A_81 = arith.index_cast %get3A_80 : i32 to index
        %get3A_82 = arith.index_cast %mul3A_47 : i32 to index
        %get3A_83 = tpu.vector_load %arg21[%get3A_81, %get3A_82] {strides = array<i32>} : memref<16x512xf32, #tpu.memory_space<vmem>>, vector<16xf32>,
        %add3A_84 = arith.addf %add3A_79, %get3A_83 : vector<16xf32>
        %get3A_85 = arith.constant 8 : i32
        %get3A_86 = arith.index_cast %get3A_85 : i32 to index
        %get3A_87 = arith.index_cast %mul3A_47 : i32 to index
        %get3A_88 = tpu.vector_load %arg21[%get3A_86, %get3A_87] {strides = array<i32>} : memref<16x512xf32, #tpu.memory_space<vmem>>, vector<16xf32>,
        %add3A_89 = arith.addf %add3A_84, %get3A_88 : vector<16xf32>
        %get3A_90 = arith.constant 9 : i32
        %get3A_91 = arith.index_cast %get3A_90 : i32 to index
        %get3A_92 = arith.index_cast %mul3A_47 : i32 to index
        %get3A_93 = tpu.vector_load %arg21[%get3A_91, %get3A_92] {strides = array<i32>} : memref<16x512xf32, #tpu.memory_space<vmem>>, vector<16xf32>,
        %add3A_94 = arith.addf %add3A_89, %get3A_93 : vector<16xf32>
        %get3A_95 = arith.constant 10 : i32
        %get3A_96 = arith.index_cast %get3A_95 : i32 to index
        %get3A_97 = arith.index_cast %mul3A_47 : i32 to index
        %get3A_98 = tpu.vector_load %arg21[%get3A_96, %get3A_97] {strides = array<i32>} : memref<16x512xf32, #tpu.memory_space<vmem>>, vector<16xf32>,
        %add3A_99 = arith.addf %add3A_94, %get3A_98 : vector<16xf32>
        %get3A_100 = arith.constant 11 : i32
        %get3A_101 = arith.index_cast %get3A_100 : i32 to index
        %get3A_102 = arith.index_cast %mul3A_47 : i32 to index
        %get3A_103 = tpu.vector_load %arg21[%get3A_101, %get3A_102] {strides = array<i32>} : memref<16x512xf32, #tpu.memory_space<vmem>>, vector<16xf32>,
        %add3A_104 = arith.addf %add3A_99, %get3A_103 : vector<16xf32>
        %get3A_105 = arith.constant 12 : i32
        %get3A_106 = arith.index_cast %get3A_105 : i32 to index
        %get3A_107 = arith.index_cast %mul3A_47 : i32 to index
        %get3A_108 = tpu.vector_load %arg21[%get3A_106, %get3A_107] {strides = array<i32>} : memref<16x512xf32, #tpu.memory_space<vmem>>, vector<16xf32>,
        %add3A_109 = arith.addf %add3A_104, %get3A_108 : vector<16xf32>
        %get3A_110 = arith.constant 13 : i32
        %get3A_111 = arith.index_cast %get3A_110 : i32 to index
        %get3A_112 = arith.index_cast %mul3A_47 : i32 to index
        %get3A_113 = tpu.vector_load %arg21[%get3A_111, %get3A_112] {strides = array<i32>} : memref<16x512xf32, #tpu.memory_space<vmem>>, vector<16xf32>,
        %add3A_114 = arith.addf %add3A_109, %get3A_113 : vector<16xf32>
        %get3A_115 = arith.constant 14 : i32
        %get3A_116 = arith.index_cast %get3A_115 : i32 to index
        %get3A_117 = arith.index_cast %mul3A_47 : i32 to index
        %get3A_118 = tpu.vector_load %arg21[%get3A_116, %get3A_117] {strides = array<i32>} : memref<16x512xf32, #tpu.memory_space<vmem>>, vector<16xf32>,
        %add3A_119 = arith.addf %add3A_114, %get3A_118 : vector<16xf32>
        %get3A_120 = arith.constant 15 : i32
        %get3A_121 = arith.index_cast %get3A_120 : i32 to index
        %get3A_122 = arith.index_cast %mul3A_47 : i32 to index
        %get3A_123 = tpu.vector_load %arg21[%get3A_121, %get3A_122] {strides = array<i32>} : memref<16x512xf32, #tpu.memory_space<vmem>>, vector<16xf32>,
        %add3A_124 = arith.addf %add3A_119, %get3A_123 : vector<16xf32>
        %swap3A = arith.index_cast %mul3A_47 : i32 to index
        %swap3A_125 = tpu.vector_load %arg20[%swap3A] {strides = array<i32>} : memref<512xf32, #tpu.memory_space<vmem>>, vector<16xf32>,
        tpu.vector_store %arg20[%swap3A], %add3A_124 {strides = array<i32>} : memref<512xf32, #tpu.memory_space<vmem>>, vector<16xf32>,
      }
      %scan3A_44 = arith.constant 32 : i32
      "tpu.region"() ({
        %run_scoped3A = tpu.sem_alloc : memref<!tpu.dma_semaphore, #tpu.memory_space<semaphore_mem>>
        tpu.enqueue_dma source(%arg20 : memref<512xf32, #tpu.memory_space<vmem>>) target(%arg10 : memref<512xf32, #tpu.memory_space<hbm>>) target_semaphore(%run_scoped3A : memref<!tpu.dma_semaphore, #tpu.memory_space<semaphore_mem>>)
        tpu.wait_dma2 semaphore(%run_scoped3A : memref<!tpu.dma_semaphore, #tpu.memory_space<semaphore_mem>>) src(%arg20 : memref<512xf32, #tpu.memory_space<vmem>>) dst(%arg10 : memref<512xf32, #tpu.memory_space<hbm>>)
        tpu.yield
      }) : () -> ()
    } else {
    }
    return
  }
}

module attributes {stable_mosaic.version = 14 : i64} {
  func.func @_mlp_body(%arg0: i32, %arg1: memref<10000x128xf32, #tpu.memory_space<vmem>>, %arg2: memref<128x64xf32, #tpu.memory_space<vmem>>, %arg3: memref<1x64xf32, #tpu.memory_space<vmem>>, %arg4: memref<64x1xf32, #tpu.memory_space<vmem>>, %arg5: memref<1x1xf32, #tpu.memory_space<vmem>>, %arg6: memref<10000x1xf32, #tpu.memory_space<vmem>>) attributes {dimension_semantics = [#tpu.dimension_semantics<parallel>], iteration_bounds = array<i64: 10>, scalar_prefetch = 0 : i64, scratch_operands = 0 : i64, tpu.core_type = #tpu.core_type<tc>, window_params = [{transform_indices = @transform_0, window_bounds = array<i64: 10000, 128>}, {pipeline_mode = #tpu.pipeline_mode<synchronous>, transform_indices = @transform_1, window_bounds = array<i64: 128, 64>}, {pipeline_mode = #tpu.pipeline_mode<synchronous>, transform_indices = @transform_2, window_bounds = array<i64: 1, 64>}, {pipeline_mode = #tpu.pipeline_mode<synchronous>, transform_indices = @transform_3, window_bounds = array<i64: 64, 1>}, {pipeline_mode = #tpu.pipeline_mode<synchronous>, transform_indices = @transform_4, window_bounds = array<i64: 1, 1>}, {transform_indices = @transform_5, window_bounds = array<i64: 10000, 1>}]} {
    %get3A = arith.constant 0 : index
    %get3A_0 = arith.constant 0 : index
    %get3A_1 = vector.load %arg1[%get3A, %get3A_0] : memref<10000x128xf32, #tpu.memory_space<vmem>>, vector<10000x128xf32>
    %get3A_2 = arith.constant 0 : index
    %get3A_3 = arith.constant 0 : index
    %get3A_4 = vector.load %arg2[%get3A_2, %get3A_3] : memref<128x64xf32, #tpu.memory_space<vmem>>, vector<128x64xf32>
    %dot_general3A = arith.constant dense<0.000000e+00> : vector<10000x64xf32>
    %dot_general3A_5 = tpu.matmul %get3A_1, %get3A_4, %dot_general3A {dimension_numbers = #tpu.dot_dimension_numbers<[1], [0], [0], [1], [0, 0, 1, 1], [], []>, transpose_lhs_hint = false} : vector<10000x128xf32>, vector<128x64xf32>, vector<10000x64xf32> -> vector<10000x64xf32>
    %get3A_6 = arith.constant 0 : index
    %get3A_7 = arith.constant 0 : index
    %get3A_8 = vector.load %arg3[%get3A_6, %get3A_7] : memref<1x64xf32, #tpu.memory_space<vmem>>, vector<1x64xf32>
    %add3A = vector.broadcast %get3A_8 : vector<1x64xf32> to vector<10000x64xf32>
    %add3A_9 = arith.addf %dot_general3A_5, %add3A : vector<10000x64xf32>
    %logistic3A = arith.negf %add3A_9 : vector<10000x64xf32>
    %logistic3A_10 = math.exp %logistic3A : vector<10000x64xf32>
    %logistic3A_11 = arith.constant 1.000000e+00 : f32
    %logistic3A_12 = vector.broadcast %logistic3A_11 : f32 to vector<10000x64xf32>
    %logistic3A_13 = arith.addf %logistic3A_12, %logistic3A_10 : vector<10000x64xf32>
    %logistic3A_14 = arith.divf %logistic3A_12, %logistic3A_13 : vector<10000x64xf32>
    %mul3A = arith.mulf %add3A_9, %logistic3A_14 : vector<10000x64xf32>
    %get3A_15 = arith.constant 0 : index
    %get3A_16 = arith.constant 0 : index
    %get3A_17 = vector.load %arg4[%get3A_15, %get3A_16] : memref<64x1xf32, #tpu.memory_space<vmem>>, vector<64x1xf32>
    %dot_general3A_18 = arith.constant dense<0.000000e+00> : vector<10000x1xf32>
    %dot_general3A_19 = tpu.matmul %mul3A, %get3A_17, %dot_general3A_18 {dimension_numbers = #tpu.dot_dimension_numbers<[1], [0], [0], [1], [0, 0, 1, 1], [], []>, transpose_lhs_hint = false} : vector<10000x64xf32>, vector<64x1xf32>, vector<10000x1xf32> -> vector<10000x1xf32>
    %get3A_20 = arith.constant 0 : index
    %get3A_21 = arith.constant 0 : index
    %get3A_22 = vector.load %arg5[%get3A_20, %get3A_21] : memref<1x1xf32, #tpu.memory_space<vmem>>, vector<1x1xf32>
    %add3A_23 = vector.broadcast %get3A_22 : vector<1x1xf32> to vector<10000x1xf32>
    %add3A_24 = arith.addf %dot_general3A_19, %add3A_23 : vector<10000x1xf32>
    %swap3A = arith.constant 0 : index
    %swap3A_25 = arith.constant 0 : index
    %swap3A_26 = vector.load %arg6[%swap3A, %swap3A_25] : memref<10000x1xf32, #tpu.memory_space<vmem>>, vector<10000x1xf32>
    tpu.vector_store %arg6[%swap3A, %swap3A_25], %add3A_24 {strides = array<i32>} : memref<10000x1xf32, #tpu.memory_space<vmem>>, vector<10000x1xf32>,
    return
  }
  func.func @transform_0(%arg0: i32) -> (i32, i32) {
    %c0_i32 = arith.constant 0 : i32
    %c0_i32_0 = arith.constant 0 : i32
    return %arg0, %c0_i32 : i32, i32
  }
  func.func @transform_1(%arg0: i32) -> (i32, i32) {
    %c0_i32 = arith.constant 0 : i32
    %c0_i32_0 = arith.constant 0 : i32
    %c0_i32_1 = arith.constant 0 : i32
    return %c0_i32, %c0_i32_0 : i32, i32
  }
  func.func @transform_2(%arg0: i32) -> (i32, i32) {
    %c0_i32 = arith.constant 0 : i32
    %c0_i32_0 = arith.constant 0 : i32
    %c0_i32_1 = arith.constant 0 : i32
    return %c0_i32, %c0_i32_0 : i32, i32
  }
  func.func @transform_3(%arg0: i32) -> (i32, i32) {
    %c0_i32 = arith.constant 0 : i32
    %c0_i32_0 = arith.constant 0 : i32
    %c0_i32_1 = arith.constant 0 : i32
    return %c0_i32, %c0_i32_0 : i32, i32
  }
  func.func @transform_4(%arg0: i32) -> (i32, i32) {
    %c0_i32 = arith.constant 0 : i32
    %c0_i32_0 = arith.constant 0 : i32
    %c0_i32_1 = arith.constant 0 : i32
    return %c0_i32, %c0_i32_0 : i32, i32
  }
  func.func @transform_5(%arg0: i32) -> (i32, i32) {
    %c0_i32 = arith.constant 0 : i32
    %c0_i32_0 = arith.constant 0 : i32
    return %arg0, %c0_i32 : i32, i32
  }
}

</mosaic_0001>

<sc_bundles>
// kernel: kernel.4.cloned.1.call-start
scs
__scs_entry_jumppad:
0x0: {  	(pc) =	sbr.rel $0x88, $3  }
0x1: {  	(tag) =	ssettag $0x0;
	lr =	simm.s32 $0x1  }
0x2: {  	[smem:$0x3F99] =	sst lr;
	_ =	strace $0xD0000000  }
0x3: {  	_ = 	snop  }
0x4: {  	_ = 	snop  }
0x5: {  	_ = 	snop  }
0x6: {  	_ = 	snop  }
0x7: {  	_ = 	snop  }
__scs_overlays_trampoline_lowered:
0x8: {  	[smem:$0x3FA8] =	sst s0  }
0x9: {  	[smem:$0x3FA9] =	sst s1  }
0xa: {  	[smem:$0x3FAA] =	sst s2  }
0xb: {  	[smem:$0x3FAB] =	sst s3  }
0xc: {  	[smem:$0x3FAC] =	sst s4  }
0xd: {  	[smem:$0x3FAD] =	sst s5  }
0xe: {  	[smem:$0x3FAE] =	sst s6  }
0xf: {  	[smem:$0x3FAF] =	sst s7  }
0x10: {  	[smem:$0x3FB0] =	sst s8  }
0x11: {  	[smem:$0x3FB1] =	sst s9;
	s0 =	simm.s32 @!p0 $0x0  }
0x12: {  	s1 =	sld [smem:$0x3F97];
	s0 =	simm.s32 @p0 $0x1  }
0x13: {  	[smem:$0x3FB2] =	sst s0;
	s0 =	simm.s32 @!p1 $0x0  }
0x14: {  	s2 =	sld [smem:$0x3F96];
	s0 =	simm.s32 @p1 $0x1  }
0x15: {  	[smem:$0x3FB3] =	sst s0;
	s0 =	simm.s32 @!p2 $0x0  }
0x16: {  	s3 =	sld [smem:$0x3FDB];
	s0 =	simm.s32 @p2 $0x1  }
0x17: {  	s4 =	simm.s32 $0x1BF5;
	[smem:$0x3FB5] =	sst s0  }
0x18: {  	s0 =	sld [smem:$0x3F98];
	_ =	swait.ge [sflag:s4], $0x0  }
0x19: {  	s7 =	sld [smem:$0x3F99]  }
0x1a: {  	s8 =	sadd.s32 $0xFFFFE003, lr  }
0x1b: {  	s9 =	sadd.s32 $0xFFFFFEF7, lr;
	s5 =	simm.s32 $0xFFFFFFFF;
	p2 =	slt.u32 s8, $0xFFFFF086  }
0x1c: {  	p1 =	slt.u32 s9, $0xF7A;
	s5 =	simm.s32 @!p2 $0x0  }
0x1d: {  	s5 =	simm.s32 @p1 $0x1;
	p0 =	seq.s32 s7, s2  }
0x1e: {  	s7 =	smul.u32 @!p0 $0xF7A, s2;
	p2 =	seq.s32 @!p0 s5, $0x0  }
0x1f: {  	s9 =	smul.u32 $0xF7A, s1;
	s8 =	simm.s32 @!p0 $0x1BF5;
	p2 =	por !p2, p0  }
0x20: {  	[sflag:s8] =	ssyncset.s32 @!p0 $0xFFFFF086;
	s6 =	sadd.s32 @!p0 s3, s7;
	s7 =	simm.s32 @!p0 $0x108  }
0x21: {  	s3 =	sadd.s32 s3, s9;
	s6 =	sadd.s32 @!p0 $0x88, s6;
	s7 =	simm.s32 @p2 $0x1082  }
0x22: {  	[simem:s7], [sflag:s8] =	dma.local @!p0 [hbm:s6], $0xF7A  }
0x23: {  	s9 =	sor.u32 $0xD0000000, s2;
	s6 =	simm.s32 $0x108;
	_ =	swait.ge @!p0 [sflag:s8], $0x0  }
0x24: {  	s3 =	sadd.s32 $0x88, s3;
	s6 =	simm.s32 @!p1 $0x1082;
	[sflag:s4] =	ssyncset.s32 $0xFFFFF086  }
0x25: {  	[simem:s6], [sflag:s4] =	dma.local [hbm:s3], $0xF7A  }
0x26: {  	[smem:$0x3F99] =	sst s1;
	(tag) =	ssettag s2;
	_ =	strace s9  }
0x27: {  	s1 =	sld [smem:$0x3FA9]  }
0x28: {  	s2 =	sld [smem:$0x3FAA]  }
0x29: {  	s4 =	sld [smem:$0x3FAC]  }
0x2a: {  	p0 =	seq.s32 s5, $0x0;
	s5 =	sld [smem:$0x3FAD]  }
0x2b: {  	s6 =	sld [smem:$0x3FAE]  }
0x2c: {  	s7 =	sld [smem:$0x3FAF]  }
0x2d: {  	s3 =	simm.s32 $0x108;
	s8 =	sld [smem:$0x3FB0]  }
0x2e: {  	s3 =	simm.s32 @!p0 $0x1082;
	s9 =	sld [smem:$0x3FB1]  }
0x2f: {  	lr =	sadd.s32 s0, s3;
	s0 =	sld [smem:$0x3FA8]  }
0x30: {  	s3 =	sld [smem:$0x3FAB]  }
0x31: {  	[smem:$0x3FB4] =	sst s10  }
0x32: {  	s10 =	sld [smem:$0x3FB2];
	_ =	sdelay $0x3  }
0x33: {  	p0 =	seq.s32 s10, $0x1;
	s10 =	sld [smem:$0x3FB4];
	_ =	sdelay $0x3  }
0x34: {  	[smem:$0x3FB4] =	sst s10  }
0x35: {  	s10 =	sld [smem:$0x3FB3];
	_ =	sdelay $0x3  }
0x36: {  	p1 =	seq.s32 s10, $0x1;
	s10 =	sld [smem:$0x3FB4];
	_ =	sdelay $0x3  }
0x37: {  	[smem:$0x3FB4] =	sst s10  }
0x38: {  	s10 =	sld [smem:$0x3FB5]  }
0x39: {  	_ = 	snop;
	(pc) =	sbr.ind lr, $3  }
0x3a: {  	_ = 	snop  }
0x3b: {  	_ = 	snop  }
0x3c: {  	p2 =	seq.s32 s10, $0x1;
	s10 =	sld [smem:$0x3FB4]  }
0x3d: {  	_ =	shalt  }
0x3e: {  	_ =	shalt  }
0x3f: {  	_ =	shalt  }
0x40: {  	_ =	shalt  }
0x41: {  	_ =	shalt  }
0x42: {  	_ =	shalt  }
0x43: {  	_ =	shalt  }
0x44: {  	_ =	shalt  }
0x45: {  	_ =	shalt  }
0x46: {  	_ =	shalt  }
0x47: {  	_ =	shalt  }
0x48: {  	_ =	shalt  }
0x49: {  	_ =	shalt  }
0x4a: {  	_ =	shalt  }
0x4b: {  	_ =	shalt  }
0x4c: {  	_ =	shalt  }
0x4d: {  	_ =	shalt  }
0x4e: {  	_ =	shalt  }
0x4f: {  	_ =	shalt  }
0x50: {  	_ =	shalt  }
0x51: {  	_ =	shalt  }
0x52: {  	_ =	shalt  }
0x53: {  	_ =	shalt  }
0x54: {  	_ =	shalt  }
0x55: {  	_ =	shalt  }
0x56: {  	_ =	shalt  }
0x57: {  	_ =	shalt  }
0x58: {  	_ =	shalt  }
0x59: {  	_ =	shalt  }
0x5a: {  	_ =	shalt  }
0x5b: {  	_ =	shalt  }
0x5c: {  	_ =	shalt  }
0x5d: {  	_ =	shalt  }
0x5e: {  	_ =	shalt  }
0x5f: {  	_ =	shalt  }
0x60: {  	_ =	shalt  }
0x61: {  	_ =	shalt  }
0x62: {  	_ =	shalt  }
0x63: {  	_ =	shalt  }
0x64: {  	_ =	shalt  }
0x65: {  	_ =	shalt  }
0x66: {  	_ =	shalt  }
0x67: {  	_ =	shalt  }
0x68: {  	_ =	shalt  }
0x69: {  	_ =	shalt  }
0x6a: {  	_ =	shalt  }
0x6b: {  	_ =	shalt  }
0x6c: {  	_ =	shalt  }
0x6d: {  	_ =	shalt  }
0x6e: {  	_ =	shalt  }
0x6f: {  	_ =	shalt  }
0x70: {  	_ =	shalt  }
0x71: {  	_ =	shalt  }
0x72: {  	_ =	shalt  }
0x73: {  	_ =	shalt  }
0x74: {  	_ =	shalt  }
0x75: {  	_ =	shalt  }
0x76: {  	_ =	shalt  }
0x77: {  	_ =	shalt  }
0x78: {  	_ =	shalt  }
0x79: {  	_ =	shalt  }
0x7a: {  	_ =	shalt  }
0x7b: {  	_ =	shalt  }
0x7c: {  	_ =	shalt  }
0x7d: {  	_ =	shalt  }
0x7e: {  	_ =	shalt  }
0x7f: {  	_ =	shalt  }
0x80: {  	_ =	shalt  }
0x81: {  	_ =	shalt  }
0x82: {  	_ =	shalt  }
0x83: {  	_ =	shalt  }
0x84: {  	_ =	shalt  }
0x85: {  	_ =	shalt  }
0x86: {  	_ =	shalt  }
0x87: {  	_ =	shalt  }
.Lfunc_end0:
.L_simem_size_0:
called_computation_lowered:
.L_overlay_start_0:
0x88: {  	s0 =	sld [smem:$0x3FD9]  }
0x89: {  	s1 =	sld [smem:$0x3FFE];
	_ =	sdelay $0x3  }
0x8a: {  	s0 =	sadd.s32 s1, s0  }
0x8b: {  	[smem:$0x3FC0] =	sst s0  }
0x8c: {  	_ = 	snop  }
0x8d: {  	s0 =	sld [smem:$0x3FD0];
	(tm) =	ssettm $0x1  }
0x8e: {  	s16 =	sld [smem:$0x3FFB];
	_ =	sdelay $0x3  }
0x8f: {  	_ =	strace s16  }
0x90: {  	s1 =	sld [smem:$0x3FFC];
	_ =	sdelay $0x3  }
0x91: {  	_ =	strace s1  }
0x92: {  	s1 =	sld [smem:$0x3FFD];
	_ =	sdelay $0x3  }
0x93: {  	_ =	strace s1  }
0x94: {  	_ =	strace $0x8FFFFFFF  }
0x95: {  	s17 =	sld [smem:$0x3FDB];
	_ =	sdelay $0x1  }
0x96: {  	s2 =	simm.s32 $_scs_section_size  }
0x97: {  	s3 =	simm.s32 $_size__tile_overlayer_lowered;
	s4 =	simm.s32 $_tile_overlayer_lowered  }
0x98: {  	s20 =	simm.s32 $0x1BFF;
	s19 =	sshll.u32 s4, $0x1;
	s1 =	sadd.s32 s2, s17  }
0x99: {  	s5 =	simm.s32 $0x0;
	s18 =	sshll.u32 s3, $0x1;
	s3 =	sadd.s32 s19, s1  }
0x9a: {  	[timem:s5], [sflag:s20] =	dma.local [hbm:s3], s18  }
0x9b: {  	_ =	swait.ge [sflag:s20], s18  }
0x9c: {  	s2 =	ssub.s32 $0x0, s18;
	[sflag:s20] =	ssyncset.done $0x0  }
0x9d: {  	[sflag:s20] =	ssyncadd.s32 s2;
	_ =	sdelay $0x1  }
0x9e: {  	s21 =	simm.s32 $0x1B8B  }
0x9f: {  	_ =	swait.ge [sflag:s21], $0x1  }
0xa0: {  	[sflag:s21] =	ssyncset.done $0x0  }
0xa1: {  	s23 =	simm.s32 $0x1B8E;
	s22 =	sld [smem:$0x3FFE];
	[sflag:s21] =	ssyncadd.s32 $0xFFFFFFFF  }
0xa2: {  	s24 =	simm.s32 $execute0_lowered;
	[smem:$0x3FD2] =	sst s23  }
0xa3: {  	s3 =	sshll.u32 s24, $0x1;
	_ =	strace $0x80000046;
	[dreg:$0x1] =	wrdreg $0xFFFFFFFF  }
0xa4: {  	s25 =	simm.s32 $_size_execute0_lowered;
	s1 =	sadd.s32 s1, s3;
	[dreg:$0x0] =	wrdreg $0x0  }
0xa5: {  	s3 =	sshll.u32 s25, $0x1;
	[dreg:$0x2] =	wrdreg s1  }
0xa6: {  	[dreg:$0x3] =	wrdreg s3  }
0xa7: {  	[dreg:$0x4] =	wrdreg $0xC0  }
0xa8: {  	_ =	task [dreg:s5], $0x5FFFF  }
0xa9: {  	[dreg:$0x1] =	wrdreg $0xFFFFFFFF  }
0xaa: {  	[dreg:$0x0] =	wrdreg $0x60  }
0xab: {  	[dreg:$0x2] =	wrdreg s22  }
0xac: {  	[dreg:$0x3] =	wrdreg s0  }
0xad: {  	[dreg:$0x4] =	wrdreg $0xCA800  }
0xae: {  	[dreg:$0x5] =	wrdreg $0x9  }
0xaf: {  	_ =	task.clear_ibuf [dreg:s5], $0x6FFFF;
	_ =	strace $0x90000046  }
0xb0: {  	s26 =	simm.s32 $0x9;
	_ =	strace $0x80000048  }
0xb1: {  	_ =	swait.ge [sflag:s26], $0x1  }
0xb2: {  	[sflag:s26] =	ssyncadd.s32 $0xFFFFFFFF  }
0xb3: {  	_ =	strace $0x90000048  }
0xb4: {  	_ =	sfence  }
0xb5: {  	s28 =	sld [smem:$0x0];
	_ =	sdelay $0x1  }
0xb6: {  	s29 =	srdreg.scid  }
0xb7: {  	s30 =	sshll.u32 s29, $0xD;
	s31 =	sshrl.u32 s29, $0x2  }
0xb8: {  	s2 =	sand.u32 $0x4000, s30;
	s1 =	sand.u32 $0x1, s29;
	s0 =	sadd.s32 s31, s28  }
0xb9: {  	s1 =	sor.u32 s2, s1;
	s0 =	sshll.u32 s0, $0x11  }
0xba: {  	s0 =	sor.u32 s0, s1  }
0xbb: {  	s0 =	sadd.s32 $0x8F2B, s0  }
0xbc: {  	[sflag:s0] =	ssyncadd.remote.s32 $0x1  }
0xbd: {  	_ =	sfence.sel $0xFFFF  }
0xbe: {  	[dreg:$0x0] =	wrdreg $0xFFFFFFFF;
	(pc) =	sbr.abs _section_cstart, $3  }
0xbf: {  	[dreg:$0x1] =	wrdreg $0xFFFFFFFF  }
0xc0: {  	_ =	task.clear_ibuf [dreg:s5], $0x2FFFF;
	_ =	strace $0x9FFFFFFF  }
0xc1: {  	(tm) =	ssettm $0x7FFFFFFF  }
tec
execute0_lowered:
.L_overlay_start_1:
0x0: {  	(tag) =	ssettag $0x1  }
0x1: {  	s5 =	rddreg [dreg:$0x0]  }
0x2: {  	s1 =	rddreg [dreg:$0x1];
	s3 =	stileid.u32  }
0x3: {  	s2 =	rddreg [dreg:$0x2];
	s4 =	simm.s32 $0x0;
	s6 =	smul.u32 $0x310, s3  }
0x4: {  	[smem:$0x7FF] =	sst s4  }
0x5: {  	s0 =	rddreg [dreg:$0x3];
	_ =	strace $0x80000047;
	s6 =	sadd.s32 s5, s6  }
0x6: {  	[tilespmem:s4], [sflag:$0x1] =	stream.linear.gather [hbm4b:s6+s4], $0x1880, $0x38;
	[tilespmem:$0xCC80] =	vst v63  }
0x7: {  	s8 =	simm.s32 $0x1880;
	s7 =	sadd.s32 $0x3200, s6  }
0x8: {  	[tilespmem:s8], [sflag:$0x1] =	stream.linear.gather [hbm4b:s7+s4], $0x1880, $0x38;
	[tilespmem:$0xCC80] =	vst v63  }
0x9: {  	s20 =	simm.s32 $0x3100;
	s19 =	sadd.s32 $0x6400, s6  }
0xa: {  	[tilespmem:s20], [sflag:$0x1] =	stream.linear.gather [hbm4b:s19+s4], $0x1880, $0x38;
	[tilespmem:$0xCC80] =	vst v63  }
0xb: {  	s22 =	simm.s32 $0x4980;
	s21 =	sadd.s32 $0x9600, s6  }
0xc: {  	[tilespmem:s22], [sflag:$0x1] =	stream.linear.gather [hbm4b:s21+s4], $0x1880, $0x38;
	[tilespmem:$0xCC80] =	vst v63  }
0xd: {  	s23 =	simm.s32 $0x6200;
	s6 =	sadd.s32 $0xCE00, s6  }
0xe: {  	[tilespmem:s23], [sflag:$0x1] =	stream.linear.gather [hbm4b:s6+s4], $0x1880, $0x38;
	[tilespmem:$0xCC80] =	vst v63  }
0xf: {  	s25 =	simm.s32 $0x7A80;
	s24 =	sadd.s32 $0xCC00, s5  }
0x10: {  	[tilespmem:s25], [sflag:$0x1] =	stream.linear.gather [hbm4b:s24+s4], $0x200, $0x38;
	[tilespmem:$0xCC80] =	vst v63  }
0x11: {  	s28 =	simm.s32 $0x7C80;
	s29 =	simm.s32 $0x7E80;
	s26 =	sadd.s32 $0xCA00, s5  }
0x12: {  	[tilespmem:s28], [sflag:$0x1] =	stream.linear.gather [hbm4b:s26+s4], $0x200, $0x38;
	[tilespmem:$0xCC80] =	vst v63  }
0x13: {  	s30 =	sand.u32 $0x70, s4;
	s31 =	sand.u32 $0xC00, s4;
	s5 =	sadd.s32 $0xC800, s5  }
0x14: {  	[tilespmem:s29], [sflag:$0x1] =	stream.linear.gather [hbm4b:s5+s4], $0x200, $0x38;
	[tilespmem:$0xCC80] =	vst v63  }
0x15: {  	v0 =	vimm.f32 $0.0e+00;
	s5 =	sor.u32 s30, s31  }
0x16: {  	[tilespmem:s5+$0x8100] =	vst v0  }
0x17: {  	[tilespmem:s5+$0x8180] =	vst v0  }
0x18: {  	[tilespmem:s5+$0x8200] =	vst v0  }
0x19: {  	[tilespmem:s5+$0x8280] =	vst v0  }
0x1a: {  	[tilespmem:s5+$0x8300] =	vst v0  }
0x1b: {  	s7 =	sor.u32 s4, s4;
	s6 =	simm.s32 $0x10;
	[tilespmem:s5+$0x8380] =	vst v0  }
.LBB2_1:
0x1c: {  	p0 =	sne.s32 s6, $0x1F0;
	[tilespmem:s5+$0x8080] =	vst v0;
	s7 =	sor.u32 $0x380, s7  }
0x1d: {  	[tilespmem:s7+$0x8080] =	vst v0  }
0x1e: {  	[tilespmem:s5+$0x9480] =	vst v0  }
0x1f: {  	[tilespmem:s5+$0x9500] =	vst v0  }
0x20: {  	[tilespmem:s5+$0x9580] =	vst v0  }
0x21: {  	[tilespmem:s5+$0x9600] =	vst v0  }
0x22: {  	[tilespmem:s5+$0x9680] =	vst v0  }
0x23: {  	s4 =	sadd.s32 $0x80, s4;
	[tilespmem:s5+$0x9700] =	vst v0  }
0x24: {  	s7 =	sand.u32 $0x70, s6;
	s8 =	sand.u32 $0xC00, s4;
	[tilespmem:s5+$0x9780] =	vst v0  }
0x25: {  	[tilespmem:s5+$0x9800] =	vst v0;
	s5 =	sor.u32 s7, s8  }
0x26: {  	[tilespmem:s5+$0x8100] =	vst v0  }
.Ltmp0:
0x27: {  	[tilespmem:s5+$0x8180] =	vst v0;
	(pc) =	sbr.rel @p0 .LBB2_1-.Ltmp0, $4  }
0x28: {  	[tilespmem:s5+$0x8200] =	vst v0  }
0x29: {  	[tilespmem:s5+$0x8280] =	vst v0  }
0x2a: {  	[tilespmem:s5+$0x8300] =	vst v0  }
0x2b: {  	s7 =	sor.u32 s4, s6;
	s6 =	sadd.s32 $0x10, s6;
	[tilespmem:s5+$0x8380] =	vst v0  }
0x2c: {  	[tilespmem:s5+$0x8080] =	vst v0;
	s4 =	sor.u32 $0x380, s7  }
0x2d: {  	[tilespmem:s4+$0x8080] =	vst v0  }
0x2e: {  	[tilespmem:s5+$0x9480] =	vst v0  }
0x2f: {  	[tilespmem:s5+$0x9500] =	vst v0  }
0x30: {  	[tilespmem:s5+$0x9580] =	vst v0  }
0x31: {  	[tilespmem:s5+$0x9600] =	vst v0  }
0x32: {  	[tilespmem:s5+$0x9680] =	vst v0  }
0x33: {  	[tilespmem:s5+$0x9700] =	vst v0  }
0x34: {  	[tilespmem:s5+$0x9780] =	vst v0  }
0x35: {  	s31 =	simm.s32 $0x1;
	[tilespmem:s5+$0x9800] =	vst v0  }
0x36: {  	_ =	swait.ge [sflag:s31], $0x1880  }
0x37: {  	[sflag:s31] =	ssyncset.done $0x0  }
0x38: {  	[sflag:s31] =	ssyncadd.s32 $0xFFFFE780  }
0x39: {  	_ =	swait.ge [sflag:s31], $0x1880  }
0x3a: {  	[sflag:s31] =	ssyncset.done $0x0  }
0x3b: {  	[sflag:s31] =	ssyncadd.s32 $0xFFFFE780  }
0x3c: {  	_ =	swait.ge [sflag:s31], $0x1880  }
0x3d: {  	[sflag:s31] =	ssyncset.done $0x0  }
0x3e: {  	vm0 =	vcmask $0x300;
	v0 =	vimm.s32 $0x1780;
	[sflag:s31] =	ssyncadd.s32 $0xFFFFE780  }
0x3f: {  	vm14 =	vcmask $0x704;
	v0 =	vsel vm0, $0x0, v0;
	_ =	swait.ge [sflag:s31], $0x1880  }
0x40: {  	vm15 =	vcmask $0xB08;
	v0 =	vsel vm14, $0x80, v0;
	[sflag:s31] =	ssyncset.done $0x0  }
0x41: {  	vm4 =	vcmask $0xF0C;
	v0 =	vsel vm15, $0x100, v0;
	[sflag:s31] =	ssyncadd.s32 $0xFFFFE780  }
0x42: {  	vm5 =	vcmask $0x1310;
	v0 =	vsel vm4, $0x180, v0;
	_ =	swait.ge [sflag:s31], $0x1880  }
0x43: {  	vm6 =	vcmask $0x1714;
	v0 =	vsel vm5, $0x200, v0;
	[sflag:s31] =	ssyncset.done $0x0  }
0x44: {  	vm7 =	vcmask $0x1B18;
	v0 =	vsel vm6, $0x280, v0;
	[sflag:s31] =	ssyncadd.s32 $0xFFFFE780  }
0x45: {  	vm8 =	vcmask $0x1F1C;
	v0 =	vsel vm7, $0x300, v0;
	_ =	swait.ge [sflag:s31], $0x200  }
0x46: {  	vm9 =	vcmask $0x2320;
	v0 =	vsel vm8, $0x380, v0;
	[sflag:s31] =	ssyncset.done $0x0  }
0x47: {  	vm10 =	vcmask $0x2724;
	v0 =	vsel vm9, $0x1400, v0;
	[sflag:s31] =	ssyncadd.s32 $0xFFFFFE00  }
0x48: {  	vm11 =	vcmask $0x2B28;
	v0 =	vsel vm10, $0x1480, v0;
	_ =	swait.ge [sflag:s31], $0x200  }
0x49: {  	vm12 =	vcmask $0x2F2C;
	v0 =	vsel vm11, $0x1500, v0;
	[sflag:s31] =	ssyncset.done $0x0  }
0x4a: {  	vm13 =	vcmask $0x3330;
	v0 =	vsel vm12, $0x1580, v0;
	[sflag:s31] =	ssyncadd.s32 $0xFFFFFE00  }
0x4b: {  	s6 =	simm.s32 $0x7C80;
	s7 =	simm.s32 $0x7E80;
	vm14 =	vcmask $0x3734;
	v0 =	vsel vm13, $0x1600, v0;
	_ =	swait.ge [sflag:s31], $0x200  }
0x4c: {  	s8 =	simm.s32 $0x8080;
	s9 =	simm.s32 $0x0;
	vm15 =	vcmask $0x3B38;
	v0 =	vsel vm14, $0x1680, v0;
	[sflag:s31] =	ssyncset.done $0x0  }
0x4d: {  	s4 =	simm.s32 $0x0;
	s5 =	simm.s32 $0x7A80;
	v0 =	vsel vm15, $0x1700, v0;
	[sflag:s31] =	ssyncadd.s32 $0xFFFFFE00  }
.LBB2_3:
0x4e: {  	s10 =	sshra.s32 s9, $0x2  }
0x4f: {  	v1 =	vld [tilespmem:s10+$0x6200];
	_ =	sdelay $0x5  }
0x50: {  	v2 =	vld [tilespmem:s10+$0x1880]  }
0x51: {  	v3 =	vld [tilespmem:s10+$0x3100]  }
0x52: {  	v5 =	vld.idx.msk [tilespmem:v1+s5+$0x0], $0xffff  }
0x53: {  	v6 =	vld.idx.msk [tilespmem:v1+s6+$0x0], $0xffff  }
0x54: {  	v4 =	vld [tilespmem:s10+$0x4980]  }
0x55: {  	v7 =	vld.idx.msk [tilespmem:v1+s7+$0x0], $0xffff;
	_ =	sdelay $0x2  }
0x56: {  	v2 =	vsub.f32 v2, v5;
	v3 =	vsub.f32 v3, v6  }
0x57: {  	v44 =	vshll.u32 v1, $0x3  }
0x58: {  	v4 =	vsub.f32 v4, v7;
	v2 =	vmul.f32 v2, v2;
	v3 =	vmul.f32 v3, v3  }
0x59: {  	v45 =	vld [tilespmem:s10+$0x0];
	v1 =	vand.u32 $0x7F, v1;
	v5 =	vand.u32 $0xFFFFFC00, v44  }
0x5a: {  	v1 =	vor.u32 v1, v5;
	v2 =	vadd.f32 v3, v2;
	v3 =	vmul.f32 v4, v4  }
0x5b: {  	v1 =	vadd.s32 v0, v1  }
0x5c: {  	v2 =	vadd.f32 v3, v2;
	_ =	sdelay $0x1  }
0x5d: {  	v2 =	vmul.f32 v2, v45;
	_ =	sdelay $0x1  }
0x5e: {  	[tilespmem:v1+s8+$0x0] =	vst.idx.add.f32.msk $0xffff, v2  }
0x5f: {  	v1 =	vld [tilespmem:s10+$0x6210];
	_ =	sdelay $0x5  }
0x60: {  	v2 =	vld [tilespmem:s10+$0x1890]  }
0x61: {  	v3 =	vld [tilespmem:s10+$0x3110]  }
0x62: {  	v47 =	vld.idx.msk [tilespmem:v1+s5+$0x0], $0xffff  }
0x63: {  	v48 =	vld.idx.msk [tilespmem:v1+s6+$0x0], $0xffff  }
0x64: {  	v46 =	vld [tilespmem:s10+$0x4990]  }
0x65: {  	v49 =	vld.idx.msk [tilespmem:v1+s7+$0x0], $0xffff;
	_ =	sdelay $0x2  }
0x66: {  	v2 =	vsub.f32 v2, v47;
	v3 =	vsub.f32 v3, v48  }
0x67: {  	v50 =	vshll.u32 v1, $0x3  }
0x68: {  	v4 =	vsub.f32 v46, v49;
	v2 =	vmul.f32 v2, v2;
	v3 =	vmul.f32 v3, v3  }
0x69: {  	v51 =	vld [tilespmem:s10+$0x10];
	v5 =	vand.u32 $0xFFFFFC00, v50;
	v1 =	vand.u32 $0x7F, v1  }
0x6a: {  	v1 =	vor.u32 v1, v5;
	v2 =	vadd.f32 v3, v2;
	v3 =	vmul.f32 v4, v4  }
0x6b: {  	v1 =	vadd.s32 v0, v1  }
0x6c: {  	v2 =	vadd.f32 v3, v2;
	_ =	sdelay $0x1  }
0x6d: {  	v2 =	vmul.f32 v2, v51;
	_ =	sdelay $0x1  }
0x6e: {  	[tilespmem:v1+s8+$0x0] =	vst.idx.add.f32.msk $0xffff, v2  }
0x6f: {  	v1 =	vld [tilespmem:s10+$0x6220];
	_ =	sdelay $0x5  }
0x70: {  	v2 =	vld [tilespmem:s10+$0x18A0]  }
0x71: {  	v3 =	vld [tilespmem:s10+$0x3120]  }
0x72: {  	v53 =	vld.idx.msk [tilespmem:v1+s5+$0x0], $0xffff  }
0x73: {  	v54 =	vld.idx.msk [tilespmem:v1+s6+$0x0], $0xffff  }
0x74: {  	v52 =	vld [tilespmem:s10+$0x49A0]  }
0x75: {  	v55 =	vld.idx.msk [tilespmem:v1+s7+$0x0], $0xffff;
	_ =	sdelay $0x2  }
0x76: {  	v2 =	vsub.f32 v2, v53;
	v3 =	vsub.f32 v3, v54  }
0x77: {  	v56 =	vshll.u32 v1, $0x3  }
0x78: {  	v4 =	vsub.f32 v52, v55;
	v2 =	vmul.f32 v2, v2;
	v3 =	vmul.f32 v3, v3  }
0x79: {  	v57 =	vld [tilespmem:s10+$0x20];
	v5 =	vand.u32 $0xFFFFFC00, v56;
	v1 =	vand.u32 $0x7F, v1  }
0x7a: {  	v1 =	vor.u32 v1, v5;
	v2 =	vadd.f32 v3, v2;
	v3 =	vmul.f32 v4, v4  }
0x7b: {  	v1 =	vadd.s32 v0, v1  }
0x7c: {  	v2 =	vadd.f32 v3, v2;
	_ =	sdelay $0x1  }
0x7d: {  	v2 =	vmul.f32 v2, v57;
	_ =	sdelay $0x1  }
0x7e: {  	[tilespmem:v1+s8+$0x0] =	vst.idx.add.f32.msk $0xffff, v2  }
0x7f: {  	v1 =	vld [tilespmem:s10+$0x6230];
	_ =	sdelay $0x5  }
0x80: {  	v2 =	vld [tilespmem:s10+$0x18B0]  }
0x81: {  	v3 =	vld [tilespmem:s10+$0x3130]  }
0x82: {  	v59 =	vld.idx.msk [tilespmem:v1+s5+$0x0], $0xffff  }
0x83: {  	v60 =	vld.idx.msk [tilespmem:v1+s6+$0x0], $0xffff  }
0x84: {  	v58 =	vld [tilespmem:s10+$0x49B0]  }
0x85: {  	v61 =	vld.idx.msk [tilespmem:v1+s7+$0x0], $0xffff;
	_ =	sdelay $0x2  }
0x86: {  	v2 =	vsub.f32 v2, v59;
	v3 =	vsub.f32 v3, v60  }
0x87: {  	v62 =	vshll.u32 v1, $0x3  }
0x88: {  	v4 =	vsub.f32 v58, v61;
	v2 =	vmul.f32 v2, v2;
	v3 =	vmul.f32 v3, v3  }
0x89: {  	v63 =	vld [tilespmem:s10+$0x30];
	v5 =	vand.u32 $0xFFFFFC00, v62;
	v1 =	vand.u32 $0x7F, v1  }
0x8a: {  	v1 =	vor.u32 v1, v5;
	v2 =	vadd.f32 v3, v2;
	v3 =	vmul.f32 v4, v4  }
0x8b: {  	p0 =	sne.s32 s9, $0x6100;
	v1 =	vadd.s32 v0, v1  }
.Ltmp1:
0x8c: {  	v2 =	vadd.f32 v3, v2;
	(pc) =	sbr.rel @p0 .LBB2_3-.Ltmp1, $3  }
0x8d: {  	_ = 	snop  }
0x8e: {  	v2 =	vmul.f32 v2, v63;
	_ =	sdelay $0x1  }
0x8f: {  	s9 =	sadd.s32 $0x100, s9;
	[tilespmem:v1+s8+$0x0] =	vst.idx.add.f32.msk $0xffff, v2  }
0x90: {  	s5 =	sand.u32 $0x70, s4;
	s30 =	sand.u32 $0xC00, s4  }
0x91: {  	s4 =	sor.u32 s5, s30  }
0x92: {  	v0 =	vld [tilespmem:s4+$0x8100]  }
0x93: {  	v1 =	vld [tilespmem:s4+$0x8080];
	_ =	sdelay $0x1  }
0x94: {  	v2 =	vld [tilespmem:s4+$0x8180];
	_ =	sdelay $0x1  }
0x95: {  	v3 =	vld [tilespmem:s4+$0x8200]  }
0x96: {  	v0 =	vadd.f32 v0, v1  }
0x97: {  	v52 =	vld [tilespmem:s4+$0x8280]  }
0x98: {  	v0 =	vadd.f32 v2, v0  }
0x99: {  	v53 =	vld [tilespmem:s4+$0x8300]  }
0x9a: {  	v0 =	vadd.f32 v3, v0  }
0x9b: {  	v54 =	vld [tilespmem:s4+$0x8380]  }
0x9c: {  	v0 =	vadd.f32 v52, v0  }
0x9d: {  	v55 =	vld [tilespmem:s4+$0x8400]  }
0x9e: {  	v0 =	vadd.f32 v53, v0  }
0x9f: {  	v56 =	vld [tilespmem:s4+$0x9480]  }
0xa0: {  	v0 =	vadd.f32 v54, v0  }
0xa1: {  	v57 =	vld [tilespmem:s4+$0x9500]  }
0xa2: {  	v0 =	vadd.f32 v55, v0  }
0xa3: {  	v58 =	vld [tilespmem:s4+$0x9580]  }
0xa4: {  	v0 =	vadd.f32 v56, v0  }
0xa5: {  	v59 =	vld [tilespmem:s4+$0x9600]  }
0xa6: {  	v0 =	vadd.f32 v57, v0  }
0xa7: {  	v60 =	vld [tilespmem:s4+$0x9680]  }
0xa8: {  	v0 =	vadd.f32 v58, v0  }
0xa9: {  	v61 =	vld [tilespmem:s4+$0x9700]  }
0xaa: {  	v0 =	vadd.f32 v59, v0  }
0xab: {  	v62 =	vld [tilespmem:s4+$0x9780]  }
0xac: {  	v0 =	vadd.f32 v60, v0  }
0xad: {  	v63 =	vld [tilespmem:s4+$0x9800]  }
0xae: {  	v0 =	vadd.f32 v61, v0;
	_ =	sdelay $0x1  }
0xaf: {  	v0 =	vadd.f32 v62, v0;
	_ =	sdelay $0x1  }
0xb0: {  	s31 =	simm.s32 $0x10;
	s6 =	simm.s32 $0x80;
	v0 =	vadd.f32 v63, v0  }
0xb1: {  	s5 =	sand.u32 $0x70, s31;
	s7 =	sand.u32 $0xC00, s6;
	s4 =	simm.s32 $0xA880  }
0xb2: {  	s5 =	sor.u32 s5, s7;
	s7 =	simm.s32 $0x20;
	[tilespmem:s4+$0x0] =	vst v0  }
.LBB2_5:
0xb3: {  	p0 =	sne.s32 s7, $0x1F0;
	v0 =	vld [tilespmem:s5+$0x8100]  }
0xb4: {  	v1 =	vld [tilespmem:s5+$0x8080];
	_ =	sdelay $0x1  }
0xb5: {  	v2 =	vld [tilespmem:s5+$0x8180];
	_ =	sdelay $0x1  }
0xb6: {  	v3 =	vld [tilespmem:s5+$0x8200]  }
0xb7: {  	v0 =	vadd.f32 v0, v1  }
0xb8: {  	v1 =	vld [tilespmem:s5+$0x8280]  }
0xb9: {  	v0 =	vadd.f32 v2, v0  }
0xba: {  	v2 =	vld [tilespmem:s5+$0x8300]  }
0xbb: {  	v0 =	vadd.f32 v3, v0  }
0xbc: {  	v3 =	vld [tilespmem:s5+$0x8380]  }
0xbd: {  	v0 =	vadd.f32 v1, v0  }
0xbe: {  	v1 =	vld [tilespmem:s5+$0x8400]  }
0xbf: {  	v0 =	vadd.f32 v2, v0  }
0xc0: {  	v2 =	vld [tilespmem:s5+$0x9480]  }
0xc1: {  	v0 =	vadd.f32 v3, v0  }
0xc2: {  	v3 =	vld [tilespmem:s5+$0x9500]  }
0xc3: {  	v0 =	vadd.f32 v1, v0  }
0xc4: {  	v1 =	vld [tilespmem:s5+$0x9580]  }
0xc5: {  	v0 =	vadd.f32 v2, v0  }
0xc6: {  	v2 =	vld [tilespmem:s5+$0x9600]  }
0xc7: {  	v0 =	vadd.f32 v3, v0  }
0xc8: {  	v3 =	vld [tilespmem:s5+$0x9680]  }
0xc9: {  	v0 =	vadd.f32 v1, v0  }
0xca: {  	v1 =	vld [tilespmem:s5+$0x9700]  }
0xcb: {  	v0 =	vadd.f32 v2, v0  }
0xcc: {  	v2 =	vld [tilespmem:s5+$0x9780]  }
0xcd: {  	v0 =	vadd.f32 v3, v0  }
0xce: {  	v3 =	vld [tilespmem:s5+$0x9800]  }
0xcf: {  	v0 =	vadd.f32 v1, v0;
	_ =	sdelay $0x1  }
.Ltmp2:
0xd0: {  	v0 =	vadd.f32 v2, v0;
	(pc) =	sbr.rel @p0 .LBB2_5-.Ltmp2, $4  }
0xd1: {  	_ = 	snop  }
0xd2: {  	s6 =	sadd.s32 $0x80, s6;
	v0 =	vadd.f32 v3, v0  }
0xd3: {  	s4 =	sadd.s32 $0x10, s4;
	s8 =	sand.u32 $0xC00, s6;
	s5 =	sand.u32 $0x70, s7  }
0xd4: {  	s7 =	sadd.s32 $0x10, s7;
	s5 =	sor.u32 s5, s8;
	[tilespmem:s4+$0x0] =	vst v0  }
0xd5: {  	v0 =	vld [tilespmem:s5+$0x8100]  }
0xd6: {  	v1 =	vld [tilespmem:s5+$0x8080];
	_ =	sdelay $0x1  }
0xd7: {  	v2 =	vld [tilespmem:s5+$0x8180];
	_ =	sdelay $0x1  }
0xd8: {  	v3 =	vld [tilespmem:s5+$0x8200]  }
0xd9: {  	v0 =	vadd.f32 v0, v1  }
0xda: {  	v52 =	vld [tilespmem:s5+$0x8280]  }
0xdb: {  	v0 =	vadd.f32 v2, v0  }
0xdc: {  	v53 =	vld [tilespmem:s5+$0x8300]  }
0xdd: {  	v0 =	vadd.f32 v3, v0  }
0xde: {  	v54 =	vld [tilespmem:s5+$0x8380]  }
0xdf: {  	v0 =	vadd.f32 v52, v0  }
0xe0: {  	v55 =	vld [tilespmem:s5+$0x8400]  }
0xe1: {  	v0 =	vadd.f32 v53, v0  }
0xe2: {  	v56 =	vld [tilespmem:s5+$0x9480]  }
0xe3: {  	v0 =	vadd.f32 v54, v0  }
0xe4: {  	v57 =	vld [tilespmem:s5+$0x9500]  }
0xe5: {  	v0 =	vadd.f32 v55, v0  }
0xe6: {  	v58 =	vld [tilespmem:s5+$0x9580]  }
0xe7: {  	v0 =	vadd.f32 v56, v0  }
0xe8: {  	v59 =	vld [tilespmem:s5+$0x9600]  }
0xe9: {  	v0 =	vadd.f32 v57, v0  }
0xea: {  	v60 =	vld [tilespmem:s5+$0x9680]  }
0xeb: {  	v0 =	vadd.f32 v58, v0  }
0xec: {  	v61 =	vld [tilespmem:s5+$0x9700]  }
0xed: {  	v0 =	vadd.f32 v59, v0  }
0xee: {  	v62 =	vld [tilespmem:s5+$0x9780]  }
0xef: {  	v0 =	vadd.f32 v60, v0  }
0xf0: {  	v63 =	vld [tilespmem:s5+$0x9800]  }
0xf1: {  	v0 =	vadd.f32 v61, v0;
	_ =	sdelay $0x1  }
0xf2: {  	v0 =	vadd.f32 v62, v0  }
0xf3: {  	s30 =	sshll.u32 s3, $0x9  }
0xf4: {  	s6 =	sshll.u32 s3, $0x7;
	s4 =	sadd.s32 $0x10, s4;
	s5 =	sand.u32 $0x1000, s30;
	v0 =	vadd.f32 v63, v0  }
0xf5: {  	s31 =	simm.s32 $0x80;
	s6 =	sand.u32 $0x380, s6;
	s5 =	sadd.s32 s5, s2  }
0xf6: {  	s7 =	simm.s32 $0x400;
	s5 =	sadd.s32 s6, s5;
	[tilespmem:s4+$0x0] =	vst v0;
	s4 =	simm.s32 $0xA880  }
0xf7: {  	[spmem:s5] =	stream.strided.scatter [tilespmem:s4], [sflag:$0x2], $0x200, s7, s31, $0x38;
	[tilespmem:$0xCC80] =	vst v63  }
0xf8: {  	s5 =	simm.s32 $0x2  }
0xf9: {  	_ =	swait.ge [sflag:s5], $0x200  }
0xfa: {  	[sflag:s5] =	ssyncset.done $0x0  }
0xfb: {  	[sflag:s5] =	ssyncadd.s32 $0xFFFFFE00  }
0xfc: {  	p0 =	sne.s32 s3, $0x0;
	[bflag:$0x0] =	sbarrier.arrive $0xFFFF  }
0xfd: {  	_ =	sfence.sel @p0 $0x180000  }
0xfe: {  	[bflag:$0x0] =	sbarrier.arrive @p0 $0xFFFF  }
0xff: {  	_ =	strace @p0 $0x90000047  }
0x100: {  	[bflag:$0x2] =	sbarrier.arrive @p0 $0xFFFF  }
0x101: {  	_ =	shalt @p0  }
.LBB2_7:
0x102: {  	s3 =	simm.s32 $0xAA80  }
0x103: {  	[tilespmem:s3], [sflag:$0x2] =	stream.linear.gather [spmem:s2], $0x2000, $0x38;
	[tilespmem:$0xCC80] =	vst v63  }
0x104: {  	s28 =	simm.s32 $0x0;
	_ =	swait.ge [sflag:s5], $0x2000  }
0x105: {  	s29 =	sand.u32 $0x70, s28;
	s2 =	sand.u32 $0xC00, s28;
	[sflag:s5] =	ssyncset.done $0x0  }
0x106: {  	s2 =	sor.u32 s29, s2;
	[sflag:s5] =	ssyncadd.s32 $0xFFFFE000  }
0x107: {  	v0 =	vld [tilespmem:s2+$0xAB00]  }
0x108: {  	v1 =	vld [tilespmem:s2+$0xAA80];
	_ =	sdelay $0x1  }
0x109: {  	v2 =	vld [tilespmem:s2+$0xAB80];
	_ =	sdelay $0x1  }
0x10a: {  	v3 =	vld [tilespmem:s2+$0xAC00]  }
0x10b: {  	v0 =	vadd.f32 v0, v1  }
0x10c: {  	v52 =	vld [tilespmem:s2+$0xAC80]  }
0x10d: {  	v0 =	vadd.f32 v2, v0  }
0x10e: {  	v53 =	vld [tilespmem:s2+$0xAD00]  }
0x10f: {  	v0 =	vadd.f32 v3, v0  }
0x110: {  	v54 =	vld [tilespmem:s2+$0xAD80]  }
0x111: {  	v0 =	vadd.f32 v52, v0  }
0x112: {  	v55 =	vld [tilespmem:s2+$0xAE00]  }
0x113: {  	v0 =	vadd.f32 v53, v0  }
0x114: {  	v56 =	vld [tilespmem:s2+$0xBA80]  }
0x115: {  	v0 =	vadd.f32 v54, v0  }
0x116: {  	v57 =	vld [tilespmem:s2+$0xBB00]  }
0x117: {  	v0 =	vadd.f32 v55, v0  }
0x118: {  	v58 =	vld [tilespmem:s2+$0xBB80]  }
0x119: {  	v0 =	vadd.f32 v56, v0  }
0x11a: {  	v59 =	vld [tilespmem:s2+$0xBC00]  }
0x11b: {  	v0 =	vadd.f32 v57, v0  }
0x11c: {  	v60 =	vld [tilespmem:s2+$0xBC80]  }
0x11d: {  	v0 =	vadd.f32 v58, v0  }
0x11e: {  	v61 =	vld [tilespmem:s2+$0xBD00]  }
0x11f: {  	v0 =	vadd.f32 v59, v0  }
0x120: {  	v62 =	vld [tilespmem:s2+$0xBD80]  }
0x121: {  	v0 =	vadd.f32 v60, v0  }
0x122: {  	v63 =	vld [tilespmem:s2+$0xBE00]  }
0x123: {  	v0 =	vadd.f32 v61, v0;
	_ =	sdelay $0x1  }
0x124: {  	v0 =	vadd.f32 v62, v0;
	_ =	sdelay $0x1  }
0x125: {  	s30 =	simm.s32 $0x10;
	s3 =	simm.s32 $0x80;
	v0 =	vadd.f32 v63, v0  }
0x126: {  	s31 =	sand.u32 $0xC00, s3;
	s2 =	sand.u32 $0x70, s30  }
0x127: {  	s5 =	simm.s32 $0x20;
	s2 =	sor.u32 s2, s31;
	[tilespmem:s4+$0x0] =	vst v0  }
.LBB2_8:
0x128: {  	p0 =	sne.s32 s5, $0x1F0;
	v0 =	vld [tilespmem:s2+$0xAB00]  }
0x129: {  	v1 =	vld [tilespmem:s2+$0xAA80];
	_ =	sdelay $0x1  }
0x12a: {  	v2 =	vld [tilespmem:s2+$0xAB80];
	_ =	sdelay $0x1  }
0x12b: {  	v3 =	vld [tilespmem:s2+$0xAC00]  }
0x12c: {  	v0 =	vadd.f32 v0, v1  }
0x12d: {  	v1 =	vld [tilespmem:s2+$0xAC80]  }
0x12e: {  	v0 =	vadd.f32 v2, v0  }
0x12f: {  	v2 =	vld [tilespmem:s2+$0xAD00]  }
0x130: {  	v0 =	vadd.f32 v3, v0  }
0x131: {  	v3 =	vld [tilespmem:s2+$0xAD80]  }
0x132: {  	v0 =	vadd.f32 v1, v0  }
0x133: {  	v1 =	vld [tilespmem:s2+$0xAE00]  }
0x134: {  	v0 =	vadd.f32 v2, v0  }
0x135: {  	v2 =	vld [tilespmem:s2+$0xBA80]  }
0x136: {  	v0 =	vadd.f32 v3, v0  }
0x137: {  	v3 =	vld [tilespmem:s2+$0xBB00]  }
0x138: {  	v0 =	vadd.f32 v1, v0  }
0x139: {  	v1 =	vld [tilespmem:s2+$0xBB80]  }
0x13a: {  	v0 =	vadd.f32 v2, v0  }
0x13b: {  	v2 =	vld [tilespmem:s2+$0xBC00]  }
0x13c: {  	v0 =	vadd.f32 v3, v0  }
0x13d: {  	v3 =	vld [tilespmem:s2+$0xBC80]  }
0x13e: {  	v0 =	vadd.f32 v1, v0  }
0x13f: {  	v1 =	vld [tilespmem:s2+$0xBD00]  }
0x140: {  	v0 =	vadd.f32 v2, v0  }
0x141: {  	v2 =	vld [tilespmem:s2+$0xBD80]  }
0x142: {  	v0 =	vadd.f32 v3, v0  }
0x143: {  	v3 =	vld [tilespmem:s2+$0xBE00]  }
0x144: {  	v0 =	vadd.f32 v1, v0;
	_ =	sdelay $0x1  }
.Ltmp3:
0x145: {  	v0 =	vadd.f32 v2, v0;
	(pc) =	sbr.rel @p0 .LBB2_8-.Ltmp3, $4  }
0x146: {  	_ = 	snop  }
0x147: {  	s3 =	sadd.s32 $0x80, s3;
	v0 =	vadd.f32 v3, v0  }
0x148: {  	s4 =	sadd.s32 $0x10, s4;
	s6 =	sand.u32 $0xC00, s3;
	s2 =	sand.u32 $0x70, s5  }
0x149: {  	s5 =	sadd.s32 $0x10, s5;
	s2 =	sor.u32 s2, s6;
	[tilespmem:s4+$0x0] =	vst v0  }
0x14a: {  	v0 =	vld [tilespmem:s2+$0xAB00]  }
0x14b: {  	v1 =	vld [tilespmem:s2+$0xAA80];
	_ =	sdelay $0x1  }
0x14c: {  	v2 =	vld [tilespmem:s2+$0xAB80];
	_ =	sdelay $0x1  }
0x14d: {  	v3 =	vld [tilespmem:s2+$0xAC00]  }
0x14e: {  	v0 =	vadd.f32 v0, v1  }
0x14f: {  	v52 =	vld [tilespmem:s2+$0xAC80]  }
0x150: {  	v0 =	vadd.f32 v2, v0  }
0x151: {  	v53 =	vld [tilespmem:s2+$0xAD00]  }
0x152: {  	v0 =	vadd.f32 v3, v0  }
0x153: {  	v54 =	vld [tilespmem:s2+$0xAD80]  }
0x154: {  	v0 =	vadd.f32 v52, v0  }
0x155: {  	v55 =	vld [tilespmem:s2+$0xAE00]  }
0x156: {  	v0 =	vadd.f32 v53, v0  }
0x157: {  	v56 =	vld [tilespmem:s2+$0xBA80]  }
0x158: {  	v0 =	vadd.f32 v54, v0  }
0x159: {  	v57 =	vld [tilespmem:s2+$0xBB00]  }
0x15a: {  	v0 =	vadd.f32 v55, v0  }
0x15b: {  	v58 =	vld [tilespmem:s2+$0xBB80]  }
0x15c: {  	v0 =	vadd.f32 v56, v0  }
0x15d: {  	v59 =	vld [tilespmem:s2+$0xBC00]  }
0x15e: {  	v0 =	vadd.f32 v57, v0  }
0x15f: {  	v60 =	vld [tilespmem:s2+$0xBC80]  }
0x160: {  	v0 =	vadd.f32 v58, v0  }
0x161: {  	v61 =	vld [tilespmem:s2+$0xBD00]  }
0x162: {  	v0 =	vadd.f32 v59, v0  }
0x163: {  	v62 =	vld [tilespmem:s2+$0xBD80]  }
0x164: {  	v0 =	vadd.f32 v60, v0  }
0x165: {  	v63 =	vld [tilespmem:s2+$0xBE00]  }
0x166: {  	v0 =	vadd.f32 v61, v0;
	_ =	sdelay $0x1  }
0x167: {  	v0 =	vadd.f32 v62, v0;
	_ =	sdelay $0x1  }
0x168: {  	v0 =	vadd.f32 v63, v0  }
0x169: {  	s29 =	sadd.s32 $0x10, s4  }
0x16a: {  	s30 =	simm.s32 $0x0;
	s3 =	simm.s32 $0xA880;
	s31 =	simm.s32 $0x2;
	[tilespmem:s29+$0x0] =	vst v0  }
0x16b: {  	[hbm4b:s1+s30] =	stream.linear.scatter [tilespmem:s3], [sflag:$0x2], $0x200, $0x38;
	[tilespmem:$0xCC80] =	vst v63  }
0x16c: {  	_ =	swait.ge [sflag:s31], $0x200  }
0x16d: {  	[sflag:s31] =	ssyncset.done $0x0  }
0x16e: {  	[sflag:s31] =	ssyncadd.s32 $0xFFFFFE00  }
0x16f: {  	_ =	sfence.sel $0x180000  }
0x170: {  	[bflag:$0x0] =	sbarrier.arrive $0xFFFF  }
0x171: {  	_ =	strace $0x90000047  }
0x172: {  	s0 =	sadd.s32 $0x100000, s0;
	[bflag:$0x2] =	sbarrier.arrive $0xFFFF  }
0x173: {  	[sflag:s0] =	ssyncadd.tile.s32 $0x1;
	_ =	shalt  }
.Lfunc_end2:
_tile_overlayer_lowered:
.L_overlay_start_2:
0x174: {  	(tag) =	ssettag $0x2  }
0x175: {  	s0 =	rddreg [dreg:$0x0];
	s2 =	stileid.u32  }
0x176: {  	s1 =	rddreg [dreg:$0x1];
	p0 =	sne.s32 s2, $0x0  }
0x177: {  	s3 =	rddreg [dreg:$0x2];
	[bflag:$0x3] =	sbarrier.arrive $0xFFFF;
	s2 =	simm.s32 @!p0 $0x1C02  }
0x178: {  	[timem:s3], [sflag:s2] =	dma.local @!p0 [hbm:s0], s1  }
0x179: {  	s0 =	simm.s32 @!p0 $0x2  }
0x17a: {  	_ =	swait.ge @!p0 [sflag:s0], s1  }
0x17b: {  	s1 =	ssub.s32 @!p0 $0x0, s1;
	[sflag:s0] =	ssyncset.done @!p0 $0x0  }
0x17c: {  	[sflag:s0] =	ssyncadd.s32 @!p0 s1  }
0x17d: {  	[bflag:$0x3] =	sbarrier.arrive $0xFFFF  }
0x17e: {  	_ =	shalt  }

</sc_bundles>
